<compile_context>
chip_gen: v7x
topology: tpu7x:2x2x1
jax: 0.10.2.dev20260603
libtpu: 0.0.44.dev20260713+nightly
codegen_flags: <defaults>
</compile_context>

<pallas_src>
import functools

import jax
import jax.numpy as jnp
from jax import lax
from jax.experimental import pallas as pl
from jax.experimental.pallas import tpu as pltpu
from jax.experimental.pallas import tpu_sc as plsc

B = 128
D = 64
K = B // 2
MARGIN = 1.0

NC = 2
NS = 16
L = 16
NW = NC * NS
ROWS_PER_W = B // NW
NCHUNK = B // L


def _nd_kernel(a_ref, n_ref, nd_ref):
    a = a_ref[...]
    n = n_ref[...]
    an2 = jnp.sum(a * a, axis=1, keepdims=True)
    nn2 = jnp.sum(n * n, axis=1, keepdims=True)
    ones = jnp.ones((B, 1), dtype=jnp.float32)
    a_aug = jnp.concatenate([-2.0 * a, ones], axis=1)
    n_aug = jnp.concatenate([n, nn2], axis=1)
    nd_ref[...] = lax.dot_general(
        a_aug, n_aug, (((1,), (1,)), ((), ())),
        preferred_element_type=jnp.float32) + an2


def _finish_kernel(a_ref, p_ref, n_ref, pc_ref, out_ref):
    a = a_ref[...]
    p = p_ref[...]
    n = n_ref[...]

    an2 = jnp.sum(a * a, axis=1, keepdims=True)
    nn2 = jnp.sum(n * n, axis=1, keepdims=True)
    dpos = a - p
    pos = jnp.sum(dpos * dpos, axis=1, keepdims=True)

    ones = jnp.ones((B, 1), dtype=jnp.float32)
    a_aug = jnp.concatenate([-2.0 * a, ones], axis=1)
    n_aug = jnp.concatenate([n, nn2], axis=1)
    nd = lax.dot_general(
        a_aug, n_aug, (((1,), (1,)), ((), ())),
        preferred_element_type=jnp.float32) + an2
    nT_aug = jnp.concatenate([-2.0 * n, ones], axis=1)
    aT_aug = jnp.concatenate([a, an2], axis=1)
    ndT = lax.dot_general(
        nT_aug, aT_aug, (((1,), (1,)), ((), ())),
        preferred_element_type=jnp.float32) + nn2

    term1 = jnp.sum(jnp.maximum(MARGIN + pos - ndT, 0.0),
                    axis=(0, 1), keepdims=True)
    clip2 = jnp.maximum(MARGIN + pos - nd, 0.0)
    colsum2 = jnp.sum(clip2, axis=0, keepdims=True)
    count = jnp.sum(pc_ref[...], axis=0, keepdims=True)
    term2 = jnp.sum(count * colsum2, axis=(0, 1), keepdims=True)
    out_ref[...] = term1 / (B * B) + term2 / (B * B * K)


def _mine_body(nd_hbm, out_hbm, rows_v, keys_v, cnt_v):
    wid = lax.axis_index("s") * NC + lax.axis_index("c")
    base = wid * ROWS_PER_W
    pltpu.sync_copy(nd_hbm.at[pl.ds(base, ROWS_PER_W)], rows_v)

    i0 = jnp.zeros((L,), jnp.int32)
    i1 = jnp.full((L,), 1, jnp.int32)
    kneed = jnp.full((L,), K, jnp.int32)
    flipc = jnp.full((L,), 0x7FFFFFFF, jnp.int32)
    f0 = jnp.zeros((L,), jnp.float32)
    f1 = jnp.full((L,), 1.0, jnp.float32)

    acc = [jnp.zeros((L,), jnp.float32) for _ in range(NCHUNK)]
    for r in range(ROWS_PER_W):
        for g in range(NCHUNK):
            x = plsc.bitcast(rows_v[r, pl.ds(g * L, L)], jnp.int32)
            keys_v[pl.ds(g * L, L)] = jnp.where(x < i0, x ^ flipc, x)

        lo = jnp.full((L,), -(2 ** 31), jnp.int32)
        hi = jnp.full((L,), 2 ** 31 - 1, jnp.int32)

        def body(_, carry):
            lo, hi = carry
            mid = (lo >> 1) + (hi >> 1) + (lo & hi & i1)
            c = i0
            for g in range(NCHUNK):
                kg = keys_v[pl.ds(g * L, L)]
                c = c + plsc.all_reduce_population_count(kg <= mid)
            ge = c >= kneed
            return jnp.where(ge, lo, mid), jnp.where(ge, mid, hi)

        lo, hi = lax.fori_loop(0, 34, body, (lo, hi))
        thr = hi

        nlt = i0
        for g in range(NCHUNK):
            kg = keys_v[pl.ds(g * L, L)]
            nlt = nlt + plsc.all_reduce_population_count(kg < thr)
        needed = kneed - nlt

        run = i0
        for g in range(NCHUNK):
            kg = keys_v[pl.ds(g * L, L)]
            lt = kg < thr
            eq = kg == thr
            eqi = jnp.where(eq, i1, i0)
            prefix = (plsc.cumsum(eqi) - eqi) + run
            sel = jnp.logical_or(lt, jnp.logical_and(eq, prefix < needed))
            acc[g] = acc[g] + jnp.where(sel, f1, f0)
            run = run + plsc.all_reduce_population_count(eq)

    for g in range(NCHUNK):
        cnt_v[pl.ds(g * L, L)] = acc[g]
    pltpu.sync_copy(cnt_v, out_hbm.at[wid])


@functools.lru_cache(maxsize=None)
def _mine_kernel():
    mesh = plsc.VectorSubcoreMesh(
        core_axis_name="c", subcore_axis_name="s",
        num_cores=NC, num_subcores=NS)
    return pl.kernel(
        _mine_body,
        out_type=jax.ShapeDtypeStruct((NW, B), jnp.float32),
        mesh=mesh,
        scratch_types=[
            pltpu.VMEM((ROWS_PER_W, B), jnp.float32),
            pltpu.VMEM((B,), jnp.int32),
            pltpu.VMEM((B,), jnp.float32),
        ],
        compiler_params=pltpu.CompilerParams(needs_layout_passes=False),
    )


@functools.partial(jax.jit)
def kernel(anchor, positive, negative):
    nd = pl.pallas_call(
        _nd_kernel,
        out_shape=jax.ShapeDtypeStruct((B, B), jnp.float32),
    )(anchor, negative)
    partial_counts = _mine_kernel()(nd)
    out = pl.pallas_call(
        _finish_kernel,
        out_shape=jax.ShapeDtypeStruct((1, 1), jnp.float32),
    )(anchor, positive, negative, partial_counts)
    return out[0, 0]

# --- scband reference (transcript-rebuilt; emitter-appended) ---
"""Pipeline reference for scband-triplet-margin-loss-with-negative-mining-39530878992715 (READ-ONLY COPY).

The authoritative reference and input builder live on the scoring server;
editing this copy changes nothing except your own understanding.
"""

import jax, jax.numpy as jnp
import numpy as np


def setup_inputs(seed: int = 0) -> dict:
    key = jax.random.key(seed)
    k1, k2, k3 = jax.random.split(key, 3)
    anchor = jax.random.normal(k1, (128, 64), dtype=jnp.float32)
    positive = jax.random.normal(k2, (128, 64), dtype=jnp.float32)
    negative = jax.random.normal(k3, (128, 64), dtype=jnp.float32)
    return {"anchor": anchor, "positive": positive, "negative": negative}


def reference(anchor, positive, negative):
    margin = 1.0
    negative_ratio = 0.5
    # pos_dist: [B]
    pos_dist = jnp.sum((anchor - positive) ** 2, axis=1)
    # neg_dist: [B, N] via explicit broadcast, matching torch
    neg_dist = jnp.sum((anchor[:, None, :] - negative[None, :, :]) ** 2, axis=2)
    # torch broadcasting: pos_dist [B] aligns with neg_dist's trailing dim (requires N == B)
    loss = jnp.clip(margin + pos_dist - neg_dist, 0.0, None)
    B = loss.shape[0]
    num_hard_negatives = int(negative_ratio * B)
    # torch.topk(largest=False) returns ascending smallest-k indices; argsort then slice matches
    hard_idx = jnp.argsort(neg_dist, axis=1)[:, :num_hard_negatives]  # [B, k]
    # torch.cat of per-row gathers == flattened gather
    hard_negatives = negative[hard_idx.reshape(-1)]  # [B*k, d]
    hard_neg_dist = jnp.sum((anchor[:, None, :] - hard_negatives[None, :, :]) ** 2, axis=2)  # [B, B*k]
    hard_neg_loss = jnp.clip(margin + pos_dist[:, None] - hard_neg_dist, 0.0, None)
    out = jnp.mean(loss + jnp.mean(hard_neg_loss, axis=1))
    return out

if __name__ == "__main__":
    import jax
    _d = setup_inputs()
    print(jax.jit(kernel)(*tuple(_d.values())))

</pallas_src>

<mosaic_0001>
#map = affine_map<(d0, d1) -> (0, 0)>
module attributes {stable_mosaic.version = 14 : i64} {
  func.func @_mine_body(%arg0: i32, %arg1: i32, %arg2: memref<128x128xf32, #tpu.memory_space<hbm>>, %arg3: memref<32x128xf32, #tpu.memory_space<hbm>>, %arg4: memref<4x128xf32, #tpu.memory_space<vmem>>, %arg5: memref<128xi32, #tpu.memory_space<vmem>>, %arg6: memref<128xf32, #tpu.memory_space<vmem>>) attributes {dimension_semantics = [#tpu.dimension_semantics<core_parallel>, #tpu.dimension_semantics<subcore_parallel>], iteration_bounds = array<i64: 2, 16>, scalar_prefetch = 0 : i64, scratch_operands = 3 : i64, tpu.core_type = #tpu.core_type<sc_vector_subcore>, window_params = [{transform_indices = #map}, {transform_indices = #map}]} {
    %mul3A = arith.constant 2 : i32
    %mul3A_0 = arith.muli %arg1, %mul3A : i32
    %add3A = arith.addi %mul3A_0, %arg0 : i32
    %mul3A_1 = arith.constant 4 : i32
    %mul3A_2 = arith.muli %add3A, %mul3A_1 : i32
    "tpu.region"() ({
      %run_scoped3A = tpu.sem_alloc : memref<!tpu.dma_semaphore, #tpu.memory_space<semaphore_mem>>
      %dma_start3A = arith.constant 0 : i32
      %dma_start3A_1101 = tpu.memref_slice %arg2[%mul3A_2, %dma_start3A] : memref<128x128xf32, #tpu.memory_space<hbm>> -> memref<4x128xf32, #tpu.memory_space<hbm>>
      %dma_start3A_1102 = arith.constant 0 : i32
      %dma_start3A_1103 = tpu.memref_slice %arg2[%mul3A_2, %dma_start3A_1102] : memref<128x128xf32, #tpu.memory_space<hbm>> -> memref<4x128xf32, #tpu.memory_space<hbm>>
      tpu.enqueue_dma source(%dma_start3A_1103 : memref<4x128xf32, #tpu.memory_space<hbm>>) target(%arg4 : memref<4x128xf32, #tpu.memory_space<vmem>>) target_semaphore(%run_scoped3A : memref<!tpu.dma_semaphore, #tpu.memory_space<semaphore_mem>>)
      %dma_wait3A = arith.constant 0 : i32
      %dma_wait3A_1104 = tpu.memref_slice %arg2[%mul3A_2, %dma_wait3A] : memref<128x128xf32, #tpu.memory_space<hbm>> -> memref<4x128xf32, #tpu.memory_space<hbm>>
      %dma_wait3A_1105 = arith.constant 0 : i32
      %dma_wait3A_1106 = tpu.memref_slice %arg2[%mul3A_2, %dma_wait3A_1105] : memref<128x128xf32, #tpu.memory_space<hbm>> -> memref<4x128xf32, #tpu.memory_space<hbm>>
      tpu.wait_dma2 semaphore(%run_scoped3A : memref<!tpu.dma_semaphore, #tpu.memory_space<semaphore_mem>>) src(%dma_wait3A_1106 : memref<4x128xf32, #tpu.memory_space<hbm>>) dst(%arg4 : memref<4x128xf32, #tpu.memory_space<vmem>>)
      tpu.yield
    }) : () -> ()
    %broadcast_in_dim3A = arith.constant 0 : i32
    %broadcast_in_dim3A_3 = vector.broadcast %broadcast_in_dim3A : i32 to vector<16xi32>
    %broadcast_in_dim3A_4 = arith.constant 1 : i32
    %broadcast_in_dim3A_5 = vector.broadcast %broadcast_in_dim3A_4 : i32 to vector<16xi32>
    %broadcast_in_dim3A_6 = arith.constant 64 : i32
    %broadcast_in_dim3A_7 = vector.broadcast %broadcast_in_dim3A_6 : i32 to vector<16xi32>
    %broadcast_in_dim3A_8 = arith.constant 2147483647 : i32
    %broadcast_in_dim3A_9 = vector.broadcast %broadcast_in_dim3A_8 : i32 to vector<16xi32>
    %broadcast_in_dim3A_10 = arith.constant 0.000000e+00 : f32
    %broadcast_in_dim3A_11 = vector.broadcast %broadcast_in_dim3A_10 : f32 to vector<16xf32>
    %broadcast_in_dim3A_12 = arith.constant 1.000000e+00 : f32
    %broadcast_in_dim3A_13 = vector.broadcast %broadcast_in_dim3A_12 : f32 to vector<16xf32>
    %broadcast_in_dim3A_14 = arith.constant 0.000000e+00 : f32
    %broadcast_in_dim3A_15 = vector.broadcast %broadcast_in_dim3A_14 : f32 to vector<16xf32>
    %broadcast_in_dim3A_16 = arith.constant 0.000000e+00 : f32
    %broadcast_in_dim3A_17 = vector.broadcast %broadcast_in_dim3A_16 : f32 to vector<16xf32>
    %broadcast_in_dim3A_18 = arith.constant 0.000000e+00 : f32
    %broadcast_in_dim3A_19 = vector.broadcast %broadcast_in_dim3A_18 : f32 to vector<16xf32>
    %broadcast_in_dim3A_20 = arith.constant 0.000000e+00 : f32
    %broadcast_in_dim3A_21 = vector.broadcast %broadcast_in_dim3A_20 : f32 to vector<16xf32>
    %broadcast_in_dim3A_22 = arith.constant 0.000000e+00 : f32
    %broadcast_in_dim3A_23 = vector.broadcast %broadcast_in_dim3A_22 : f32 to vector<16xf32>
    %broadcast_in_dim3A_24 = arith.constant 0.000000e+00 : f32
    %broadcast_in_dim3A_25 = vector.broadcast %broadcast_in_dim3A_24 : f32 to vector<16xf32>
    %broadcast_in_dim3A_26 = arith.constant 0.000000e+00 : f32
    %broadcast_in_dim3A_27 = vector.broadcast %broadcast_in_dim3A_26 : f32 to vector<16xf32>
    %broadcast_in_dim3A_28 = arith.constant 0.000000e+00 : f32
    %broadcast_in_dim3A_29 = vector.broadcast %broadcast_in_dim3A_28 : f32 to vector<16xf32>
    %get3A = arith.constant 0 : i32
    %get3A_30 = arith.index_cast %get3A : i32 to index
    %get3A_31 = arith.constant 0 : index
    %get3A_32 = tpu.vector_load %arg4[%get3A_30, %get3A_31] {strides = array<i32>} : memref<4x128xf32, #tpu.memory_space<vmem>>, vector<16xf32>,
    %bitcast3A = vector.bitcast %get3A_32 : vector<16xf32> to vector<16xi32>
    %lt3A = arith.cmpi slt, %bitcast3A, %broadcast_in_dim3A_3 : vector<16xi32>
    %xor3A = arith.xori %bitcast3A, %broadcast_in_dim3A_9 : vector<16xi32>
    %select_n3A = arith.select %lt3A, %xor3A, %bitcast3A : vector<16xi1>, vector<16xi32>
    %swap3A = arith.constant 0 : index
    %swap3A_33 = tpu.vector_load %arg5[%swap3A] {strides = array<i32>} : memref<128xi32, #tpu.memory_space<vmem>>, vector<16xi32>,
    tpu.vector_store %arg5[%swap3A], %select_n3A {strides = array<i32>} : memref<128xi32, #tpu.memory_space<vmem>>, vector<16xi32>,
    %get3A_34 = arith.constant 0 : i32
    %get3A_35 = arith.index_cast %get3A_34 : i32 to index
    %get3A_36 = arith.constant 16 : index
    %get3A_37 = tpu.vector_load %arg4[%get3A_35, %get3A_36] {strides = array<i32>} : memref<4x128xf32, #tpu.memory_space<vmem>>, vector<16xf32>,
    %bitcast3A_38 = vector.bitcast %get3A_37 : vector<16xf32> to vector<16xi32>
    %lt3A_39 = arith.cmpi slt, %bitcast3A_38, %broadcast_in_dim3A_3 : vector<16xi32>
    %xor3A_40 = arith.xori %bitcast3A_38, %broadcast_in_dim3A_9 : vector<16xi32>
    %select_n3A_41 = arith.select %lt3A_39, %xor3A_40, %bitcast3A_38 : vector<16xi1>, vector<16xi32>
    %swap3A_42 = arith.constant 16 : index
    %swap3A_43 = tpu.vector_load %arg5[%swap3A_42] {strides = array<i32>} : memref<128xi32, #tpu.memory_space<vmem>>, vector<16xi32>,
    tpu.vector_store %arg5[%swap3A_42], %select_n3A_41 {strides = array<i32>} : memref<128xi32, #tpu.memory_space<vmem>>, vector<16xi32>,
    %get3A_44 = arith.constant 0 : i32
    %get3A_45 = arith.index_cast %get3A_44 : i32 to index
    %get3A_46 = arith.constant 32 : index
    %get3A_47 = tpu.vector_load %arg4[%get3A_45, %get3A_46] {strides = array<i32>} : memref<4x128xf32, #tpu.memory_space<vmem>>, vector<16xf32>,
    %bitcast3A_48 = vector.bitcast %get3A_47 : vector<16xf32> to vector<16xi32>
    %lt3A_49 = arith.cmpi slt, %bitcast3A_48, %broadcast_in_dim3A_3 : vector<16xi32>
    %xor3A_50 = arith.xori %bitcast3A_48, %broadcast_in_dim3A_9 : vector<16xi32>
    %select_n3A_51 = arith.select %lt3A_49, %xor3A_50, %bitcast3A_48 : vector<16xi1>, vector<16xi32>
    %swap3A_52 = arith.constant 32 : index
    %swap3A_53 = tpu.vector_load %arg5[%swap3A_52] {strides = array<i32>} : memref<128xi32, #tpu.memory_space<vmem>>, vector<16xi32>,
    tpu.vector_store %arg5[%swap3A_52], %select_n3A_51 {strides = array<i32>} : memref<128xi32, #tpu.memory_space<vmem>>, vector<16xi32>,
    %get3A_54 = arith.constant 0 : i32
    %get3A_55 = arith.index_cast %get3A_54 : i32 to index
    %get3A_56 = arith.constant 48 : index
    %get3A_57 = tpu.vector_load %arg4[%get3A_55, %get3A_56] {strides = array<i32>} : memref<4x128xf32, #tpu.memory_space<vmem>>, vector<16xf32>,
    %bitcast3A_58 = vector.bitcast %get3A_57 : vector<16xf32> to vector<16xi32>
    %lt3A_59 = arith.cmpi slt, %bitcast3A_58, %broadcast_in_dim3A_3 : vector<16xi32>
    %xor3A_60 = arith.xori %bitcast3A_58, %broadcast_in_dim3A_9 : vector<16xi32>
    %select_n3A_61 = arith.select %lt3A_59, %xor3A_60, %bitcast3A_58 : vector<16xi1>, vector<16xi32>
    %swap3A_62 = arith.constant 48 : index
    %swap3A_63 = tpu.vector_load %arg5[%swap3A_62] {strides = array<i32>} : memref<128xi32, #tpu.memory_space<vmem>>, vector<16xi32>,
    tpu.vector_store %arg5[%swap3A_62], %select_n3A_61 {strides = array<i32>} : memref<128xi32, #tpu.memory_space<vmem>>, vector<16xi32>,
    %get3A_64 = arith.constant 0 : i32
    %get3A_65 = arith.index_cast %get3A_64 : i32 to index
    %get3A_66 = arith.constant 64 : index
    %get3A_67 = tpu.vector_load %arg4[%get3A_65, %get3A_66] {strides = array<i32>} : memref<4x128xf32, #tpu.memory_space<vmem>>, vector<16xf32>,
    %bitcast3A_68 = vector.bitcast %get3A_67 : vector<16xf32> to vector<16xi32>
    %lt3A_69 = arith.cmpi slt, %bitcast3A_68, %broadcast_in_dim3A_3 : vector<16xi32>
    %xor3A_70 = arith.xori %bitcast3A_68, %broadcast_in_dim3A_9 : vector<16xi32>
    %select_n3A_71 = arith.select %lt3A_69, %xor3A_70, %bitcast3A_68 : vector<16xi1>, vector<16xi32>
    %swap3A_72 = arith.constant 64 : index
    %swap3A_73 = tpu.vector_load %arg5[%swap3A_72] {strides = array<i32>} : memref<128xi32, #tpu.memory_space<vmem>>, vector<16xi32>,
    tpu.vector_store %arg5[%swap3A_72], %select_n3A_71 {strides = array<i32>} : memref<128xi32, #tpu.memory_space<vmem>>, vector<16xi32>,
    %get3A_74 = arith.constant 0 : i32
    %get3A_75 = arith.index_cast %get3A_74 : i32 to index
    %get3A_76 = arith.constant 80 : index
    %get3A_77 = tpu.vector_load %arg4[%get3A_75, %get3A_76] {strides = array<i32>} : memref<4x128xf32, #tpu.memory_space<vmem>>, vector<16xf32>,
    %bitcast3A_78 = vector.bitcast %get3A_77 : vector<16xf32> to vector<16xi32>
    %lt3A_79 = arith.cmpi slt, %bitcast3A_78, %broadcast_in_dim3A_3 : vector<16xi32>
    %xor3A_80 = arith.xori %bitcast3A_78, %broadcast_in_dim3A_9 : vector<16xi32>
    %select_n3A_81 = arith.select %lt3A_79, %xor3A_80, %bitcast3A_78 : vector<16xi1>, vector<16xi32>
    %swap3A_82 = arith.constant 80 : index
    %swap3A_83 = tpu.vector_load %arg5[%swap3A_82] {strides = array<i32>} : memref<128xi32, #tpu.memory_space<vmem>>, vector<16xi32>,
    tpu.vector_store %arg5[%swap3A_82], %select_n3A_81 {strides = array<i32>} : memref<128xi32, #tpu.memory_space<vmem>>, vector<16xi32>,
    %get3A_84 = arith.constant 0 : i32
    %get3A_85 = arith.index_cast %get3A_84 : i32 to index
    %get3A_86 = arith.constant 96 : index
    %get3A_87 = tpu.vector_load %arg4[%get3A_85, %get3A_86] {strides = array<i32>} : memref<4x128xf32, #tpu.memory_space<vmem>>, vector<16xf32>,
    %bitcast3A_88 = vector.bitcast %get3A_87 : vector<16xf32> to vector<16xi32>
    %lt3A_89 = arith.cmpi slt, %bitcast3A_88, %broadcast_in_dim3A_3 : vector<16xi32>
    %xor3A_90 = arith.xori %bitcast3A_88, %broadcast_in_dim3A_9 : vector<16xi32>
    %select_n3A_91 = arith.select %lt3A_89, %xor3A_90, %bitcast3A_88 : vector<16xi1>, vector<16xi32>
    %swap3A_92 = arith.constant 96 : index
    %swap3A_93 = tpu.vector_load %arg5[%swap3A_92] {strides = array<i32>} : memref<128xi32, #tpu.memory_space<vmem>>, vector<16xi32>,
    tpu.vector_store %arg5[%swap3A_92], %select_n3A_91 {strides = array<i32>} : memref<128xi32, #tpu.memory_space<vmem>>, vector<16xi32>,
    %get3A_94 = arith.constant 0 : i32
    %get3A_95 = arith.index_cast %get3A_94 : i32 to index
    %get3A_96 = arith.constant 112 : index
    %get3A_97 = tpu.vector_load %arg4[%get3A_95, %get3A_96] {strides = array<i32>} : memref<4x128xf32, #tpu.memory_space<vmem>>, vector<16xf32>,
    %bitcast3A_98 = vector.bitcast %get3A_97 : vector<16xf32> to vector<16xi32>
    %lt3A_99 = arith.cmpi slt, %bitcast3A_98, %broadcast_in_dim3A_3 : vector<16xi32>
    %xor3A_100 = arith.xori %bitcast3A_98, %broadcast_in_dim3A_9 : vector<16xi32>
    %select_n3A_101 = arith.select %lt3A_99, %xor3A_100, %bitcast3A_98 : vector<16xi1>, vector<16xi32>
    %swap3A_102 = arith.constant 112 : index
    %swap3A_103 = tpu.vector_load %arg5[%swap3A_102] {strides = array<i32>} : memref<128xi32, #tpu.memory_space<vmem>>, vector<16xi32>,
    tpu.vector_store %arg5[%swap3A_102], %select_n3A_101 {strides = array<i32>} : memref<128xi32, #tpu.memory_space<vmem>>, vector<16xi32>,
    %broadcast_in_dim3A_104 = arith.constant -2147483648 : i32
    %broadcast_in_dim3A_105 = vector.broadcast %broadcast_in_dim3A_104 : i32 to vector<16xi32>
    %broadcast_in_dim3A_106 = arith.constant 2147483647 : i32
    %broadcast_in_dim3A_107 = vector.broadcast %broadcast_in_dim3A_106 : i32 to vector<16xi32>
    %scan3A = arith.constant 0 : i32
    %scan3A_108 = arith.constant 34 : i32
    %scan3A_109 = arith.addi %scan3A, %scan3A_108 : i32
    %scan3A_110 = arith.constant 1 : i32
    %scan3A_111:2 = scf.for %scan3A_1101 = %scan3A to %scan3A_109 step %scan3A_110 iter_args(%scan3A_1102 = %broadcast_in_dim3A_105, %scan3A_1103 = %broadcast_in_dim3A_107) -> (vector<16xi32>, vector<16xi32>)  : i32 {
      %shift_right_arithmetic3A = arith.constant 1 : i32
      %shift_right_arithmetic3A_1104 = vector.broadcast %shift_right_arithmetic3A : i32 to vector<16xi32>
      %shift_right_arithmetic3A_1105 = arith.shrsi %scan3A_1102, %shift_right_arithmetic3A_1104 : vector<16xi32>
      %shift_right_arithmetic3A_1106 = arith.constant 1 : i32
      %shift_right_arithmetic3A_1107 = vector.broadcast %shift_right_arithmetic3A_1106 : i32 to vector<16xi32>
      %shift_right_arithmetic3A_1108 = arith.shrsi %scan3A_1103, %shift_right_arithmetic3A_1107 : vector<16xi32>
      %add3A_1109 = arith.addi %shift_right_arithmetic3A_1105, %shift_right_arithmetic3A_1108 : vector<16xi32>
      %and3A_1110 = arith.andi %scan3A_1102, %scan3A_1103 : vector<16xi32>
      %and3A_1111 = arith.andi %and3A_1110, %broadcast_in_dim3A_5 : vector<16xi32>
      %add3A_1112 = arith.addi %add3A_1109, %and3A_1111 : vector<16xi32>
      %get3A_1113 = arith.constant 0 : index
      %get3A_1114 = tpu.vector_load %arg5[%get3A_1113] {strides = array<i32>} : memref<128xi32, #tpu.memory_space<vmem>>, vector<16xi32>,
      %le3A = arith.cmpi sle, %get3A_1114, %add3A_1112 : vector<16xi32>
      %all_reduce_population_count3A_1115 = tpu.all_reduce %le3A {dim = 0 : i64, kind = #tpu.reduction_kind<sum>} : vector<16xi1> -> vector<16xi32>
      %add3A_1116 = arith.addi %broadcast_in_dim3A_3, %all_reduce_population_count3A_1115 : vector<16xi32>
      %get3A_1117 = arith.constant 16 : index
      %get3A_1118 = tpu.vector_load %arg5[%get3A_1117] {strides = array<i32>} : memref<128xi32, #tpu.memory_space<vmem>>, vector<16xi32>,
      %le3A_1119 = arith.cmpi sle, %get3A_1118, %add3A_1112 : vector<16xi32>
      %all_reduce_population_count3A_1120 = tpu.all_reduce %le3A_1119 {dim = 0 : i64, kind = #tpu.reduction_kind<sum>} : vector<16xi1> -> vector<16xi32>
      %add3A_1121 = arith.addi %add3A_1116, %all_reduce_population_count3A_1120 : vector<16xi32>
      %get3A_1122 = arith.constant 32 : index
      %get3A_1123 = tpu.vector_load %arg5[%get3A_1122] {strides = array<i32>} : memref<128xi32, #tpu.memory_space<vmem>>, vector<16xi32>,
      %le3A_1124 = arith.cmpi sle, %get3A_1123, %add3A_1112 : vector<16xi32>
      %all_reduce_population_count3A_1125 = tpu.all_reduce %le3A_1124 {dim = 0 : i64, kind = #tpu.reduction_kind<sum>} : vector<16xi1> -> vector<16xi32>
      %add3A_1126 = arith.addi %add3A_1121, %all_reduce_population_count3A_1125 : vector<16xi32>
      %get3A_1127 = arith.constant 48 : index
      %get3A_1128 = tpu.vector_load %arg5[%get3A_1127] {strides = array<i32>} : memref<128xi32, #tpu.memory_space<vmem>>, vector<16xi32>,
      %le3A_1129 = arith.cmpi sle, %get3A_1128, %add3A_1112 : vector<16xi32>
      %all_reduce_population_count3A_1130 = tpu.all_reduce %le3A_1129 {dim = 0 : i64, kind = #tpu.reduction_kind<sum>} : vector<16xi1> -> vector<16xi32>
      %add3A_1131 = arith.addi %add3A_1126, %all_reduce_population_count3A_1130 : vector<16xi32>
      %get3A_1132 = arith.constant 64 : index
      %get3A_1133 = tpu.vector_load %arg5[%get3A_1132] {strides = array<i32>} : memref<128xi32, #tpu.memory_space<vmem>>, vector<16xi32>,
      %le3A_1134 = arith.cmpi sle, %get3A_1133, %add3A_1112 : vector<16xi32>
      %all_reduce_population_count3A_1135 = tpu.all_reduce %le3A_1134 {dim = 0 : i64, kind = #tpu.reduction_kind<sum>} : vector<16xi1> -> vector<16xi32>
      %add3A_1136 = arith.addi %add3A_1131, %all_reduce_population_count3A_1135 : vector<16xi32>
      %get3A_1137 = arith.constant 80 : index
      %get3A_1138 = tpu.vector_load %arg5[%get3A_1137] {strides = array<i32>} : memref<128xi32, #tpu.memory_space<vmem>>, vector<16xi32>,
      %le3A_1139 = arith.cmpi sle, %get3A_1138, %add3A_1112 : vector<16xi32>
      %all_reduce_population_count3A_1140 = tpu.all_reduce %le3A_1139 {dim = 0 : i64, kind = #tpu.reduction_kind<sum>} : vector<16xi1> -> vector<16xi32>
      %add3A_1141 = arith.addi %add3A_1136, %all_reduce_population_count3A_1140 : vector<16xi32>
      %get3A_1142 = arith.constant 96 : index
      %get3A_1143 = tpu.vector_load %arg5[%get3A_1142] {strides = array<i32>} : memref<128xi32, #tpu.memory_space<vmem>>, vector<16xi32>,
      %le3A_1144 = arith.cmpi sle, %get3A_1143, %add3A_1112 : vector<16xi32>
      %all_reduce_population_count3A_1145 = tpu.all_reduce %le3A_1144 {dim = 0 : i64, kind = #tpu.reduction_kind<sum>} : vector<16xi1> -> vector<16xi32>
      %add3A_1146 = arith.addi %add3A_1141, %all_reduce_population_count3A_1145 : vector<16xi32>
      %get3A_1147 = arith.constant 112 : index
      %get3A_1148 = tpu.vector_load %arg5[%get3A_1147] {strides = array<i32>} : memref<128xi32, #tpu.memory_space<vmem>>, vector<16xi32>,
      %le3A_1149 = arith.cmpi sle, %get3A_1148, %add3A_1112 : vector<16xi32>
      %all_reduce_population_count3A_1150 = tpu.all_reduce %le3A_1149 {dim = 0 : i64, kind = #tpu.reduction_kind<sum>} : vector<16xi1> -> vector<16xi32>
      %add3A_1151 = arith.addi %add3A_1146, %all_reduce_population_count3A_1150 : vector<16xi32>
      %ge3A = arith.cmpi sge, %add3A_1151, %broadcast_in_dim3A_7 : vector<16xi32>
      %select_n3A_1152 = arith.select %ge3A, %scan3A_1102, %add3A_1112 : vector<16xi1>, vector<16xi32>
      %select_n3A_1153 = arith.select %ge3A, %add3A_1112, %scan3A_1103 : vector<16xi1>, vector<16xi32>
      scf.yield %select_n3A_1152, %select_n3A_1153 : vector<16xi32>, vector<16xi32>
    }
    %scan3A_112 = arith.constant 34 : i32
    %get3A_113 = arith.constant 0 : index
    %get3A_114 = tpu.vector_load %arg5[%get3A_113] {strides = array<i32>} : memref<128xi32, #tpu.memory_space<vmem>>, vector<16xi32>,
    %lt3A_115 = arith.cmpi slt, %get3A_114, %scan3A_111#1 : vector<16xi32>
    %all_reduce_population_count3A = tpu.all_reduce %lt3A_115 {dim = 0 : i64, kind = #tpu.reduction_kind<sum>} : vector<16xi1> -> vector<16xi32>
    %add3A_116 = arith.addi %broadcast_in_dim3A_3, %all_reduce_population_count3A : vector<16xi32>
    %get3A_117 = arith.constant 16 : index
    %get3A_118 = tpu.vector_load %arg5[%get3A_117] {strides = array<i32>} : memref<128xi32, #tpu.memory_space<vmem>>, vector<16xi32>,
    %lt3A_119 = arith.cmpi slt, %get3A_118, %scan3A_111#1 : vector<16xi32>
    %all_reduce_population_count3A_120 = tpu.all_reduce %lt3A_119 {dim = 0 : i64, kind = #tpu.reduction_kind<sum>} : vector<16xi1> -> vector<16xi32>
    %add3A_121 = arith.addi %add3A_116, %all_reduce_population_count3A_120 : vector<16xi32>
    %get3A_122 = arith.constant 32 : index
    %get3A_123 = tpu.vector_load %arg5[%get3A_122] {strides = array<i32>} : memref<128xi32, #tpu.memory_space<vmem>>, vector<16xi32>,
    %lt3A_124 = arith.cmpi slt, %get3A_123, %scan3A_111#1 : vector<16xi32>
    %all_reduce_population_count3A_125 = tpu.all_reduce %lt3A_124 {dim = 0 : i64, kind = #tpu.reduction_kind<sum>} : vector<16xi1> -> vector<16xi32>
    %add3A_126 = arith.addi %add3A_121, %all_reduce_population_count3A_125 : vector<16xi32>
    %get3A_127 = arith.constant 48 : index
    %get3A_128 = tpu.vector_load %arg5[%get3A_127] {strides = array<i32>} : memref<128xi32, #tpu.memory_space<vmem>>, vector<16xi32>,
    %lt3A_129 = arith.cmpi slt, %get3A_128, %scan3A_111#1 : vector<16xi32>
    %all_reduce_population_count3A_130 = tpu.all_reduce %lt3A_129 {dim = 0 : i64, kind = #tpu.reduction_kind<sum>} : vector<16xi1> -> vector<16xi32>
    %add3A_131 = arith.addi %add3A_126, %all_reduce_population_count3A_130 : vector<16xi32>
    %get3A_132 = arith.constant 64 : index
    %get3A_133 = tpu.vector_load %arg5[%get3A_132] {strides = array<i32>} : memref<128xi32, #tpu.memory_space<vmem>>, vector<16xi32>,
    %lt3A_134 = arith.cmpi slt, %get3A_133, %scan3A_111#1 : vector<16xi32>
    %all_reduce_population_count3A_135 = tpu.all_reduce %lt3A_134 {dim = 0 : i64, kind = #tpu.reduction_kind<sum>} : vector<16xi1> -> vector<16xi32>
    %add3A_136 = arith.addi %add3A_131, %all_reduce_population_count3A_135 : vector<16xi32>
    %get3A_137 = arith.constant 80 : index
    %get3A_138 = tpu.vector_load %arg5[%get3A_137] {strides = array<i32>} : memref<128xi32, #tpu.memory_space<vmem>>, vector<16xi32>,
    %lt3A_139 = arith.cmpi slt, %get3A_138, %scan3A_111#1 : vector<16xi32>
    %all_reduce_population_count3A_140 = tpu.all_reduce %lt3A_139 {dim = 0 : i64, kind = #tpu.reduction_kind<sum>} : vector<16xi1> -> vector<16xi32>
    %add3A_141 = arith.addi %add3A_136, %all_reduce_population_count3A_140 : vector<16xi32>
    %get3A_142 = arith.constant 96 : index
    %get3A_143 = tpu.vector_load %arg5[%get3A_142] {strides = array<i32>} : memref<128xi32, #tpu.memory_space<vmem>>, vector<16xi32>,
    %lt3A_144 = arith.cmpi slt, %get3A_143, %scan3A_111#1 : vector<16xi32>
    %all_reduce_population_count3A_145 = tpu.all_reduce %lt3A_144 {dim = 0 : i64, kind = #tpu.reduction_kind<sum>} : vector<16xi1> -> vector<16xi32>
    %add3A_146 = arith.addi %add3A_141, %all_reduce_population_count3A_145 : vector<16xi32>
    %get3A_147 = arith.constant 112 : index
    %get3A_148 = tpu.vector_load %arg5[%get3A_147] {strides = array<i32>} : memref<128xi32, #tpu.memory_space<vmem>>, vector<16xi32>,
    %lt3A_149 = arith.cmpi slt, %get3A_148, %scan3A_111#1 : vector<16xi32>
    %all_reduce_population_count3A_150 = tpu.all_reduce %lt3A_149 {dim = 0 : i64, kind = #tpu.reduction_kind<sum>} : vector<16xi1> -> vector<16xi32>
    %add3A_151 = arith.addi %add3A_146, %all_reduce_population_count3A_150 : vector<16xi32>
    %sub3A = arith.subi %broadcast_in_dim3A_7, %add3A_151 : vector<16xi32>
    %get3A_152 = arith.constant 0 : index
    %get3A_153 = tpu.vector_load %arg5[%get3A_152] {strides = array<i32>} : memref<128xi32, #tpu.memory_space<vmem>>, vector<16xi32>,
    %lt3A_154 = arith.cmpi slt, %get3A_153, %scan3A_111#1 : vector<16xi32>
    %eq3A = arith.cmpi eq, %get3A_153, %scan3A_111#1 : vector<16xi32>
    %select_n3A_155 = arith.select %eq3A, %broadcast_in_dim3A_5, %broadcast_in_dim3A_3 : vector<16xi1>, vector<16xi32>
    %broadcast_in_dim3A_156 = arith.constant true
    %broadcast_in_dim3A_157 = vector.broadcast %broadcast_in_dim3A_156 : i1 to vector<16xi1>
    %masked_cumsum3A = tpu.scan <sum>, %select_n3A_155 masked %broadcast_in_dim3A_157 : vector<16xi32>, vector<16xi1> -> vector<16xi32>
    %sub3A_158 = arith.subi %masked_cumsum3A, %select_n3A_155 : vector<16xi32>
    %add3A_159 = arith.addi %sub3A_158, %broadcast_in_dim3A_3 : vector<16xi32>
    %lt3A_160 = arith.cmpi slt, %add3A_159, %sub3A : vector<16xi32>
    %and3A = arith.andi %eq3A, %lt3A_160 : vector<16xi1>
    %or3A = arith.ori %lt3A_154, %and3A : vector<16xi1>
    %select_n3A_161 = arith.select %or3A, %broadcast_in_dim3A_13, %broadcast_in_dim3A_11 : vector<16xi1>, vector<16xf32>
    %add3A_162 = arith.addf %broadcast_in_dim3A_15, %select_n3A_161 : vector<16xf32>
    %all_reduce_population_count3A_163 = tpu.all_reduce %eq3A {dim = 0 : i64, kind = #tpu.reduction_kind<sum>} : vector<16xi1> -> vector<16xi32>
    %add3A_164 = arith.addi %broadcast_in_dim3A_3, %all_reduce_population_count3A_163 : vector<16xi32>
    %get3A_165 = arith.constant 16 : index
    %get3A_166 = tpu.vector_load %arg5[%get3A_165] {strides = array<i32>} : memref<128xi32, #tpu.memory_space<vmem>>, vector<16xi32>,
    %lt3A_167 = arith.cmpi slt, %get3A_166, %scan3A_111#1 : vector<16xi32>
    %eq3A_168 = arith.cmpi eq, %get3A_166, %scan3A_111#1 : vector<16xi32>
    %select_n3A_169 = arith.select %eq3A_168, %broadcast_in_dim3A_5, %broadcast_in_dim3A_3 : vector<16xi1>, vector<16xi32>
    %broadcast_in_dim3A_170 = arith.constant true
    %broadcast_in_dim3A_171 = vector.broadcast %broadcast_in_dim3A_170 : i1 to vector<16xi1>
    %masked_cumsum3A_172 = tpu.scan <sum>, %select_n3A_169 masked %broadcast_in_dim3A_171 : vector<16xi32>, vector<16xi1> -> vector<16xi32>
    %sub3A_173 = arith.subi %masked_cumsum3A_172, %select_n3A_169 : vector<16xi32>
    %add3A_174 = arith.addi %sub3A_173, %add3A_164 : vector<16xi32>
    %lt3A_175 = arith.cmpi slt, %add3A_174, %sub3A : vector<16xi32>
    %and3A_176 = arith.andi %eq3A_168, %lt3A_175 : vector<16xi1>
    %or3A_177 = arith.ori %lt3A_167, %and3A_176 : vector<16xi1>
    %select_n3A_178 = arith.select %or3A_177, %broadcast_in_dim3A_13, %broadcast_in_dim3A_11 : vector<16xi1>, vector<16xf32>
    %add3A_179 = arith.addf %broadcast_in_dim3A_17, %select_n3A_178 : vector<16xf32>
    %all_reduce_population_count3A_180 = tpu.all_reduce %eq3A_168 {dim = 0 : i64, kind = #tpu.reduction_kind<sum>} : vector<16xi1> -> vector<16xi32>
    %add3A_181 = arith.addi %add3A_164, %all_reduce_population_count3A_180 : vector<16xi32>
    %get3A_182 = arith.constant 32 : index
    %get3A_183 = tpu.vector_load %arg5[%get3A_182] {strides = array<i32>} : memref<128xi32, #tpu.memory_space<vmem>>, vector<16xi32>,
    %lt3A_184 = arith.cmpi slt, %get3A_183, %scan3A_111#1 : vector<16xi32>
    %eq3A_185 = arith.cmpi eq, %get3A_183, %scan3A_111#1 : vector<16xi32>
    %select_n3A_186 = arith.select %eq3A_185, %broadcast_in_dim3A_5, %broadcast_in_dim3A_3 : vector<16xi1>, vector<16xi32>
    %broadcast_in_dim3A_187 = arith.constant true
    %broadcast_in_dim3A_188 = vector.broadcast %broadcast_in_dim3A_187 : i1 to vector<16xi1>
    %masked_cumsum3A_189 = tpu.scan <sum>, %select_n3A_186 masked %broadcast_in_dim3A_188 : vector<16xi32>, vector<16xi1> -> vector<16xi32>
    %sub3A_190 = arith.subi %masked_cumsum3A_189, %select_n3A_186 : vector<16xi32>
    %add3A_191 = arith.addi %sub3A_190, %add3A_181 : vector<16xi32>
    %lt3A_192 = arith.cmpi slt, %add3A_191, %sub3A : vector<16xi32>
    %and3A_193 = arith.andi %eq3A_185, %lt3A_192 : vector<16xi1>
    %or3A_194 = arith.ori %lt3A_184, %and3A_193 : vector<16xi1>
    %select_n3A_195 = arith.select %or3A_194, %broadcast_in_dim3A_13, %broadcast_in_dim3A_11 : vector<16xi1>, vector<16xf32>
    %add3A_196 = arith.addf %broadcast_in_dim3A_19, %select_n3A_195 : vector<16xf32>
    %all_reduce_population_count3A_197 = tpu.all_reduce %eq3A_185 {dim = 0 : i64, kind = #tpu.reduction_kind<sum>} : vector<16xi1> -> vector<16xi32>
    %add3A_198 = arith.addi %add3A_181, %all_reduce_population_count3A_197 : vector<16xi32>
    %get3A_199 = arith.constant 48 : index
    %get3A_200 = tpu.vector_load %arg5[%get3A_199] {strides = array<i32>} : memref<128xi32, #tpu.memory_space<vmem>>, vector<16xi32>,
    %lt3A_201 = arith.cmpi slt, %get3A_200, %scan3A_111#1 : vector<16xi32>
    %eq3A_202 = arith.cmpi eq, %get3A_200, %scan3A_111#1 : vector<16xi32>
    %select_n3A_203 = arith.select %eq3A_202, %broadcast_in_dim3A_5, %broadcast_in_dim3A_3 : vector<16xi1>, vector<16xi32>
    %broadcast_in_dim3A_204 = arith.constant true
    %broadcast_in_dim3A_205 = vector.broadcast %broadcast_in_dim3A_204 : i1 to vector<16xi1>
    %masked_cumsum3A_206 = tpu.scan <sum>, %select_n3A_203 masked %broadcast_in_dim3A_205 : vector<16xi32>, vector<16xi1> -> vector<16xi32>
    %sub3A_207 = arith.subi %masked_cumsum3A_206, %select_n3A_203 : vector<16xi32>
    %add3A_208 = arith.addi %sub3A_207, %add3A_198 : vector<16xi32>
    %lt3A_209 = arith.cmpi slt, %add3A_208, %sub3A : vector<16xi32>
    %and3A_210 = arith.andi %eq3A_202, %lt3A_209 : vector<16xi1>
    %or3A_211 = arith.ori %lt3A_201, %and3A_210 : vector<16xi1>
    %select_n3A_212 = arith.select %or3A_211, %broadcast_in_dim3A_13, %broadcast_in_dim3A_11 : vector<16xi1>, vector<16xf32>
    %add3A_213 = arith.addf %broadcast_in_dim3A_21, %select_n3A_212 : vector<16xf32>
    %all_reduce_population_count3A_214 = tpu.all_reduce %eq3A_202 {dim = 0 : i64, kind = #tpu.reduction_kind<sum>} : vector<16xi1> -> vector<16xi32>
    %add3A_215 = arith.addi %add3A_198, %all_reduce_population_count3A_214 : vector<16xi32>
    %get3A_216 = arith.constant 64 : index
    %get3A_217 = tpu.vector_load %arg5[%get3A_216] {strides = array<i32>} : memref<128xi32, #tpu.memory_space<vmem>>, vector<16xi32>,
    %lt3A_218 = arith.cmpi slt, %get3A_217, %scan3A_111#1 : vector<16xi32>
    %eq3A_219 = arith.cmpi eq, %get3A_217, %scan3A_111#1 : vector<16xi32>
    %select_n3A_220 = arith.select %eq3A_219, %broadcast_in_dim3A_5, %broadcast_in_dim3A_3 : vector<16xi1>, vector<16xi32>
    %broadcast_in_dim3A_221 = arith.constant true
    %broadcast_in_dim3A_222 = vector.broadcast %broadcast_in_dim3A_221 : i1 to vector<16xi1>
    %masked_cumsum3A_223 = tpu.scan <sum>, %select_n3A_220 masked %broadcast_in_dim3A_222 : vector<16xi32>, vector<16xi1> -> vector<16xi32>
    %sub3A_224 = arith.subi %masked_cumsum3A_223, %select_n3A_220 : vector<16xi32>
    %add3A_225 = arith.addi %sub3A_224, %add3A_215 : vector<16xi32>
    %lt3A_226 = arith.cmpi slt, %add3A_225, %sub3A : vector<16xi32>
    %and3A_227 = arith.andi %eq3A_219, %lt3A_226 : vector<16xi1>
    %or3A_228 = arith.ori %lt3A_218, %and3A_227 : vector<16xi1>
    %select_n3A_229 = arith.select %or3A_228, %broadcast_in_dim3A_13, %broadcast_in_dim3A_11 : vector<16xi1>, vector<16xf32>
    %add3A_230 = arith.addf %broadcast_in_dim3A_23, %select_n3A_229 : vector<16xf32>
    %all_reduce_population_count3A_231 = tpu.all_reduce %eq3A_219 {dim = 0 : i64, kind = #tpu.reduction_kind<sum>} : vector<16xi1> -> vector<16xi32>
    %add3A_232 = arith.addi %add3A_215, %all_reduce_population_count3A_231 : vector<16xi32>
    %get3A_233 = arith.constant 80 : index
    %get3A_234 = tpu.vector_load %arg5[%get3A_233] {strides = array<i32>} : memref<128xi32, #tpu.memory_space<vmem>>, vector<16xi32>,
    %lt3A_235 = arith.cmpi slt, %get3A_234, %scan3A_111#1 : vector<16xi32>
    %eq3A_236 = arith.cmpi eq, %get3A_234, %scan3A_111#1 : vector<16xi32>
    %select_n3A_237 = arith.select %eq3A_236, %broadcast_in_dim3A_5, %broadcast_in_dim3A_3 : vector<16xi1>, vector<16xi32>
    %broadcast_in_dim3A_238 = arith.constant true
    %broadcast_in_dim3A_239 = vector.broadcast %broadcast_in_dim3A_238 : i1 to vector<16xi1>
    %masked_cumsum3A_240 = tpu.scan <sum>, %select_n3A_237 masked %broadcast_in_dim3A_239 : vector<16xi32>, vector<16xi1> -> vector<16xi32>
    %sub3A_241 = arith.subi %masked_cumsum3A_240, %select_n3A_237 : vector<16xi32>
    %add3A_242 = arith.addi %sub3A_241, %add3A_232 : vector<16xi32>
    %lt3A_243 = arith.cmpi slt, %add3A_242, %sub3A : vector<16xi32>
    %and3A_244 = arith.andi %eq3A_236, %lt3A_243 : vector<16xi1>
    %or3A_245 = arith.ori %lt3A_235, %and3A_244 : vector<16xi1>
    %select_n3A_246 = arith.select %or3A_245, %broadcast_in_dim3A_13, %broadcast_in_dim3A_11 : vector<16xi1>, vector<16xf32>
    %add3A_247 = arith.addf %broadcast_in_dim3A_25, %select_n3A_246 : vector<16xf32>
    %all_reduce_population_count3A_248 = tpu.all_reduce %eq3A_236 {dim = 0 : i64, kind = #tpu.reduction_kind<sum>} : vector<16xi1> -> vector<16xi32>
    %add3A_249 = arith.addi %add3A_232, %all_reduce_population_count3A_248 : vector<16xi32>
    %get3A_250 = arith.constant 96 : index
    %get3A_251 = tpu.vector_load %arg5[%get3A_250] {strides = array<i32>} : memref<128xi32, #tpu.memory_space<vmem>>, vector<16xi32>,
    %lt3A_252 = arith.cmpi slt, %get3A_251, %scan3A_111#1 : vector<16xi32>
    %eq3A_253 = arith.cmpi eq, %get3A_251, %scan3A_111#1 : vector<16xi32>
    %select_n3A_254 = arith.select %eq3A_253, %broadcast_in_dim3A_5, %broadcast_in_dim3A_3 : vector<16xi1>, vector<16xi32>
    %broadcast_in_dim3A_255 = arith.constant true
    %broadcast_in_dim3A_256 = vector.broadcast %broadcast_in_dim3A_255 : i1 to vector<16xi1>
    %masked_cumsum3A_257 = tpu.scan <sum>, %select_n3A_254 masked %broadcast_in_dim3A_256 : vector<16xi32>, vector<16xi1> -> vector<16xi32>
    %sub3A_258 = arith.subi %masked_cumsum3A_257, %select_n3A_254 : vector<16xi32>
    %add3A_259 = arith.addi %sub3A_258, %add3A_249 : vector<16xi32>
    %lt3A_260 = arith.cmpi slt, %add3A_259, %sub3A : vector<16xi32>
    %and3A_261 = arith.andi %eq3A_253, %lt3A_260 : vector<16xi1>
    %or3A_262 = arith.ori %lt3A_252, %and3A_261 : vector<16xi1>
    %select_n3A_263 = arith.select %or3A_262, %broadcast_in_dim3A_13, %broadcast_in_dim3A_11 : vector<16xi1>, vector<16xf32>
    %add3A_264 = arith.addf %broadcast_in_dim3A_27, %select_n3A_263 : vector<16xf32>
    %all_reduce_population_count3A_265 = tpu.all_reduce %eq3A_253 {dim = 0 : i64, kind = #tpu.reduction_kind<sum>} : vector<16xi1> -> vector<16xi32>
    %add3A_266 = arith.addi %add3A_249, %all_reduce_population_count3A_265 : vector<16xi32>
    %get3A_267 = arith.constant 112 : index
    %get3A_268 = tpu.vector_load %arg5[%get3A_267] {strides = array<i32>} : memref<128xi32, #tpu.memory_space<vmem>>, vector<16xi32>,
    %lt3A_269 = arith.cmpi slt, %get3A_268, %scan3A_111#1 : vector<16xi32>
    %eq3A_270 = arith.cmpi eq, %get3A_268, %scan3A_111#1 : vector<16xi32>
    %select_n3A_271 = arith.select %eq3A_270, %broadcast_in_dim3A_5, %broadcast_in_dim3A_3 : vector<16xi1>, vector<16xi32>
    %broadcast_in_dim3A_272 = arith.constant true
    %broadcast_in_dim3A_273 = vector.broadcast %broadcast_in_dim3A_272 : i1 to vector<16xi1>
    %masked_cumsum3A_274 = tpu.scan <sum>, %select_n3A_271 masked %broadcast_in_dim3A_273 : vector<16xi32>, vector<16xi1> -> vector<16xi32>
    %sub3A_275 = arith.subi %masked_cumsum3A_274, %select_n3A_271 : vector<16xi32>
    %add3A_276 = arith.addi %sub3A_275, %add3A_266 : vector<16xi32>
    %lt3A_277 = arith.cmpi slt, %add3A_276, %sub3A : vector<16xi32>
    %and3A_278 = arith.andi %eq3A_270, %lt3A_277 : vector<16xi1>
    %or3A_279 = arith.ori %lt3A_269, %and3A_278 : vector<16xi1>
    %select_n3A_280 = arith.select %or3A_279, %broadcast_in_dim3A_13, %broadcast_in_dim3A_11 : vector<16xi1>, vector<16xf32>
    %add3A_281 = arith.addf %broadcast_in_dim3A_29, %select_n3A_280 : vector<16xf32>
    %all_reduce_population_count3A_282 = tpu.all_reduce %eq3A_270 {dim = 0 : i64, kind = #tpu.reduction_kind<sum>} : vector<16xi1> -> vector<16xi32>
    %add3A_283 = arith.addi %add3A_266, %all_reduce_population_count3A_282 : vector<16xi32>
    %get3A_284 = arith.constant 1 : i32
    %get3A_285 = arith.index_cast %get3A_284 : i32 to index
    %get3A_286 = arith.constant 0 : index
    %get3A_287 = tpu.vector_load %arg4[%get3A_285, %get3A_286] {strides = array<i32>} : memref<4x128xf32, #tpu.memory_space<vmem>>, vector<16xf32>,
    %bitcast3A_288 = vector.bitcast %get3A_287 : vector<16xf32> to vector<16xi32>
    %lt3A_289 = arith.cmpi slt, %bitcast3A_288, %broadcast_in_dim3A_3 : vector<16xi32>
    %xor3A_290 = arith.xori %bitcast3A_288, %broadcast_in_dim3A_9 : vector<16xi32>
    %select_n3A_291 = arith.select %lt3A_289, %xor3A_290, %bitcast3A_288 : vector<16xi1>, vector<16xi32>
    %swap3A_292 = arith.constant 0 : index
    %swap3A_293 = tpu.vector_load %arg5[%swap3A_292] {strides = array<i32>} : memref<128xi32, #tpu.memory_space<vmem>>, vector<16xi32>,
    tpu.vector_store %arg5[%swap3A_292], %select_n3A_291 {strides = array<i32>} : memref<128xi32, #tpu.memory_space<vmem>>, vector<16xi32>,
    %get3A_294 = arith.constant 1 : i32
    %get3A_295 = arith.index_cast %get3A_294 : i32 to index
    %get3A_296 = arith.constant 16 : index
    %get3A_297 = tpu.vector_load %arg4[%get3A_295, %get3A_296] {strides = array<i32>} : memref<4x128xf32, #tpu.memory_space<vmem>>, vector<16xf32>,
    %bitcast3A_298 = vector.bitcast %get3A_297 : vector<16xf32> to vector<16xi32>
    %lt3A_299 = arith.cmpi slt, %bitcast3A_298, %broadcast_in_dim3A_3 : vector<16xi32>
    %xor3A_300 = arith.xori %bitcast3A_298, %broadcast_in_dim3A_9 : vector<16xi32>
    %select_n3A_301 = arith.select %lt3A_299, %xor3A_300, %bitcast3A_298 : vector<16xi1>, vector<16xi32>
    %swap3A_302 = arith.constant 16 : index
    %swap3A_303 = tpu.vector_load %arg5[%swap3A_302] {strides = array<i32>} : memref<128xi32, #tpu.memory_space<vmem>>, vector<16xi32>,
    tpu.vector_store %arg5[%swap3A_302], %select_n3A_301 {strides = array<i32>} : memref<128xi32, #tpu.memory_space<vmem>>, vector<16xi32>,
    %get3A_304 = arith.constant 1 : i32
    %get3A_305 = arith.index_cast %get3A_304 : i32 to index
    %get3A_306 = arith.constant 32 : index
    %get3A_307 = tpu.vector_load %arg4[%get3A_305, %get3A_306] {strides = array<i32>} : memref<4x128xf32, #tpu.memory_space<vmem>>, vector<16xf32>,
    %bitcast3A_308 = vector.bitcast %get3A_307 : vector<16xf32> to vector<16xi32>
    %lt3A_309 = arith.cmpi slt, %bitcast3A_308, %broadcast_in_dim3A_3 : vector<16xi32>
    %xor3A_310 = arith.xori %bitcast3A_308, %broadcast_in_dim3A_9 : vector<16xi32>
    %select_n3A_311 = arith.select %lt3A_309, %xor3A_310, %bitcast3A_308 : vector<16xi1>, vector<16xi32>
    %swap3A_312 = arith.constant 32 : index
    %swap3A_313 = tpu.vector_load %arg5[%swap3A_312] {strides = array<i32>} : memref<128xi32, #tpu.memory_space<vmem>>, vector<16xi32>,
    tpu.vector_store %arg5[%swap3A_312], %select_n3A_311 {strides = array<i32>} : memref<128xi32, #tpu.memory_space<vmem>>, vector<16xi32>,
    %get3A_314 = arith.constant 1 : i32
    %get3A_315 = arith.index_cast %get3A_314 : i32 to index
    %get3A_316 = arith.constant 48 : index
    %get3A_317 = tpu.vector_load %arg4[%get3A_315, %get3A_316] {strides = array<i32>} : memref<4x128xf32, #tpu.memory_space<vmem>>, vector<16xf32>,
    %bitcast3A_318 = vector.bitcast %get3A_317 : vector<16xf32> to vector<16xi32>
    %lt3A_319 = arith.cmpi slt, %bitcast3A_318, %broadcast_in_dim3A_3 : vector<16xi32>
    %xor3A_320 = arith.xori %bitcast3A_318, %broadcast_in_dim3A_9 : vector<16xi32>
    %select_n3A_321 = arith.select %lt3A_319, %xor3A_320, %bitcast3A_318 : vector<16xi1>, vector<16xi32>
    %swap3A_322 = arith.constant 48 : index
    %swap3A_323 = tpu.vector_load %arg5[%swap3A_322] {strides = array<i32>} : memref<128xi32, #tpu.memory_space<vmem>>, vector<16xi32>,
    tpu.vector_store %arg5[%swap3A_322], %select_n3A_321 {strides = array<i32>} : memref<128xi32, #tpu.memory_space<vmem>>, vector<16xi32>,
    %get3A_324 = arith.constant 1 : i32
    %get3A_325 = arith.index_cast %get3A_324 : i32 to index
    %get3A_326 = arith.constant 64 : index
    %get3A_327 = tpu.vector_load %arg4[%get3A_325, %get3A_326] {strides = array<i32>} : memref<4x128xf32, #tpu.memory_space<vmem>>, vector<16xf32>,
    %bitcast3A_328 = vector.bitcast %get3A_327 : vector<16xf32> to vector<16xi32>
    %lt3A_329 = arith.cmpi slt, %bitcast3A_328, %broadcast_in_dim3A_3 : vector<16xi32>
    %xor3A_330 = arith.xori %bitcast3A_328, %broadcast_in_dim3A_9 : vector<16xi32>
    %select_n3A_331 = arith.select %lt3A_329, %xor3A_330, %bitcast3A_328 : vector<16xi1>, vector<16xi32>
    %swap3A_332 = arith.constant 64 : index
    %swap3A_333 = tpu.vector_load %arg5[%swap3A_332] {strides = array<i32>} : memref<128xi32, #tpu.memory_space<vmem>>, vector<16xi32>,
    tpu.vector_store %arg5[%swap3A_332], %select_n3A_331 {strides = array<i32>} : memref<128xi32, #tpu.memory_space<vmem>>, vector<16xi32>,
    %get3A_334 = arith.constant 1 : i32
    %get3A_335 = arith.index_cast %get3A_334 : i32 to index
    %get3A_336 = arith.constant 80 : index
    %get3A_337 = tpu.vector_load %arg4[%get3A_335, %get3A_336] {strides = array<i32>} : memref<4x128xf32, #tpu.memory_space<vmem>>, vector<16xf32>,
    %bitcast3A_338 = vector.bitcast %get3A_337 : vector<16xf32> to vector<16xi32>
    %lt3A_339 = arith.cmpi slt, %bitcast3A_338, %broadcast_in_dim3A_3 : vector<16xi32>
    %xor3A_340 = arith.xori %bitcast3A_338, %broadcast_in_dim3A_9 : vector<16xi32>
    %select_n3A_341 = arith.select %lt3A_339, %xor3A_340, %bitcast3A_338 : vector<16xi1>, vector<16xi32>
    %swap3A_342 = arith.constant 80 : index
    %swap3A_343 = tpu.vector_load %arg5[%swap3A_342] {strides = array<i32>} : memref<128xi32, #tpu.memory_space<vmem>>, vector<16xi32>,
    tpu.vector_store %arg5[%swap3A_342], %select_n3A_341 {strides = array<i32>} : memref<128xi32, #tpu.memory_space<vmem>>, vector<16xi32>,
    %get3A_344 = arith.constant 1 : i32
    %get3A_345 = arith.index_cast %get3A_344 : i32 to index
    %get3A_346 = arith.constant 96 : index
    %get3A_347 = tpu.vector_load %arg4[%get3A_345, %get3A_346] {strides = array<i32>} : memref<4x128xf32, #tpu.memory_space<vmem>>, vector<16xf32>,
    %bitcast3A_348 = vector.bitcast %get3A_347 : vector<16xf32> to vector<16xi32>
    %lt3A_349 = arith.cmpi slt, %bitcast3A_348, %broadcast_in_dim3A_3 : vector<16xi32>
    %xor3A_350 = arith.xori %bitcast3A_348, %broadcast_in_dim3A_9 : vector<16xi32>
    %select_n3A_351 = arith.select %lt3A_349, %xor3A_350, %bitcast3A_348 : vector<16xi1>, vector<16xi32>
    %swap3A_352 = arith.constant 96 : index
    %swap3A_353 = tpu.vector_load %arg5[%swap3A_352] {strides = array<i32>} : memref<128xi32, #tpu.memory_space<vmem>>, vector<16xi32>,
    tpu.vector_store %arg5[%swap3A_352], %select_n3A_351 {strides = array<i32>} : memref<128xi32, #tpu.memory_space<vmem>>, vector<16xi32>,
    %get3A_354 = arith.constant 1 : i32
    %get3A_355 = arith.index_cast %get3A_354 : i32 to index
    %get3A_356 = arith.constant 112 : index
    %get3A_357 = tpu.vector_load %arg4[%get3A_355, %get3A_356] {strides = array<i32>} : memref<4x128xf32, #tpu.memory_space<vmem>>, vector<16xf32>,
    %bitcast3A_358 = vector.bitcast %get3A_357 : vector<16xf32> to vector<16xi32>
    %lt3A_359 = arith.cmpi slt, %bitcast3A_358, %broadcast_in_dim3A_3 : vector<16xi32>
    %xor3A_360 = arith.xori %bitcast3A_358, %broadcast_in_dim3A_9 : vector<16xi32>
    %select_n3A_361 = arith.select %lt3A_359, %xor3A_360, %bitcast3A_358 : vector<16xi1>, vector<16xi32>
    %swap3A_362 = arith.constant 112 : index
    %swap3A_363 = tpu.vector_load %arg5[%swap3A_362] {strides = array<i32>} : memref<128xi32, #tpu.memory_space<vmem>>, vector<16xi32>,
    tpu.vector_store %arg5[%swap3A_362], %select_n3A_361 {strides = array<i32>} : memref<128xi32, #tpu.memory_space<vmem>>, vector<16xi32>,
    %broadcast_in_dim3A_364 = arith.constant -2147483648 : i32
    %broadcast_in_dim3A_365 = vector.broadcast %broadcast_in_dim3A_364 : i32 to vector<16xi32>
    %broadcast_in_dim3A_366 = arith.constant 2147483647 : i32
    %broadcast_in_dim3A_367 = vector.broadcast %broadcast_in_dim3A_366 : i32 to vector<16xi32>
    %scan3A_368 = arith.constant 0 : i32
    %scan3A_369 = arith.constant 34 : i32
    %scan3A_370 = arith.addi %scan3A_368, %scan3A_369 : i32
    %scan3A_371 = arith.constant 1 : i32
    %scan3A_372:2 = scf.for %scan3A_1101 = %scan3A_368 to %scan3A_370 step %scan3A_371 iter_args(%scan3A_1102 = %broadcast_in_dim3A_365, %scan3A_1103 = %broadcast_in_dim3A_367) -> (vector<16xi32>, vector<16xi32>)  : i32 {
      %shift_right_arithmetic3A = arith.constant 1 : i32
      %shift_right_arithmetic3A_1104 = vector.broadcast %shift_right_arithmetic3A : i32 to vector<16xi32>
      %shift_right_arithmetic3A_1105 = arith.shrsi %scan3A_1102, %shift_right_arithmetic3A_1104 : vector<16xi32>
      %shift_right_arithmetic3A_1106 = arith.constant 1 : i32
      %shift_right_arithmetic3A_1107 = vector.broadcast %shift_right_arithmetic3A_1106 : i32 to vector<16xi32>
      %shift_right_arithmetic3A_1108 = arith.shrsi %scan3A_1103, %shift_right_arithmetic3A_1107 : vector<16xi32>
      %add3A_1109 = arith.addi %shift_right_arithmetic3A_1105, %shift_right_arithmetic3A_1108 : vector<16xi32>
      %and3A_1110 = arith.andi %scan3A_1102, %scan3A_1103 : vector<16xi32>
      %and3A_1111 = arith.andi %and3A_1110, %broadcast_in_dim3A_5 : vector<16xi32>
      %add3A_1112 = arith.addi %add3A_1109, %and3A_1111 : vector<16xi32>
      %get3A_1113 = arith.constant 0 : index
      %get3A_1114 = tpu.vector_load %arg5[%get3A_1113] {strides = array<i32>} : memref<128xi32, #tpu.memory_space<vmem>>, vector<16xi32>,
      %le3A = arith.cmpi sle, %get3A_1114, %add3A_1112 : vector<16xi32>
      %all_reduce_population_count3A_1115 = tpu.all_reduce %le3A {dim = 0 : i64, kind = #tpu.reduction_kind<sum>} : vector<16xi1> -> vector<16xi32>
      %add3A_1116 = arith.addi %broadcast_in_dim3A_3, %all_reduce_population_count3A_1115 : vector<16xi32>
      %get3A_1117 = arith.constant 16 : index
      %get3A_1118 = tpu.vector_load %arg5[%get3A_1117] {strides = array<i32>} : memref<128xi32, #tpu.memory_space<vmem>>, vector<16xi32>,
      %le3A_1119 = arith.cmpi sle, %get3A_1118, %add3A_1112 : vector<16xi32>
      %all_reduce_population_count3A_1120 = tpu.all_reduce %le3A_1119 {dim = 0 : i64, kind = #tpu.reduction_kind<sum>} : vector<16xi1> -> vector<16xi32>
      %add3A_1121 = arith.addi %add3A_1116, %all_reduce_population_count3A_1120 : vector<16xi32>
      %get3A_1122 = arith.constant 32 : index
      %get3A_1123 = tpu.vector_load %arg5[%get3A_1122] {strides = array<i32>} : memref<128xi32, #tpu.memory_space<vmem>>, vector<16xi32>,
      %le3A_1124 = arith.cmpi sle, %get3A_1123, %add3A_1112 : vector<16xi32>
      %all_reduce_population_count3A_1125 = tpu.all_reduce %le3A_1124 {dim = 0 : i64, kind = #tpu.reduction_kind<sum>} : vector<16xi1> -> vector<16xi32>
      %add3A_1126 = arith.addi %add3A_1121, %all_reduce_population_count3A_1125 : vector<16xi32>
      %get3A_1127 = arith.constant 48 : index
      %get3A_1128 = tpu.vector_load %arg5[%get3A_1127] {strides = array<i32>} : memref<128xi32, #tpu.memory_space<vmem>>, vector<16xi32>,
      %le3A_1129 = arith.cmpi sle, %get3A_1128, %add3A_1112 : vector<16xi32>
      %all_reduce_population_count3A_1130 = tpu.all_reduce %le3A_1129 {dim = 0 : i64, kind = #tpu.reduction_kind<sum>} : vector<16xi1> -> vector<16xi32>
      %add3A_1131 = arith.addi %add3A_1126, %all_reduce_population_count3A_1130 : vector<16xi32>
      %get3A_1132 = arith.constant 64 : index
      %get3A_1133 = tpu.vector_load %arg5[%get3A_1132] {strides = array<i32>} : memref<128xi32, #tpu.memory_space<vmem>>, vector<16xi32>,
      %le3A_1134 = arith.cmpi sle, %get3A_1133, %add3A_1112 : vector<16xi32>
      %all_reduce_population_count3A_1135 = tpu.all_reduce %le3A_1134 {dim = 0 : i64, kind = #tpu.reduction_kind<sum>} : vector<16xi1> -> vector<16xi32>
      %add3A_1136 = arith.addi %add3A_1131, %all_reduce_population_count3A_1135 : vector<16xi32>
      %get3A_1137 = arith.constant 80 : index
      %get3A_1138 = tpu.vector_load %arg5[%get3A_1137] {strides = array<i32>} : memref<128xi32, #tpu.memory_space<vmem>>, vector<16xi32>,
      %le3A_1139 = arith.cmpi sle, %get3A_1138, %add3A_1112 : vector<16xi32>
      %all_reduce_population_count3A_1140 = tpu.all_reduce %le3A_1139 {dim = 0 : i64, kind = #tpu.reduction_kind<sum>} : vector<16xi1> -> vector<16xi32>
      %add3A_1141 = arith.addi %add3A_1136, %all_reduce_population_count3A_1140 : vector<16xi32>
      %get3A_1142 = arith.constant 96 : index
      %get3A_1143 = tpu.vector_load %arg5[%get3A_1142] {strides = array<i32>} : memref<128xi32, #tpu.memory_space<vmem>>, vector<16xi32>,
      %le3A_1144 = arith.cmpi sle, %get3A_1143, %add3A_1112 : vector<16xi32>
      %all_reduce_population_count3A_1145 = tpu.all_reduce %le3A_1144 {dim = 0 : i64, kind = #tpu.reduction_kind<sum>} : vector<16xi1> -> vector<16xi32>
      %add3A_1146 = arith.addi %add3A_1141, %all_reduce_population_count3A_1145 : vector<16xi32>
      %get3A_1147 = arith.constant 112 : index
      %get3A_1148 = tpu.vector_load %arg5[%get3A_1147] {strides = array<i32>} : memref<128xi32, #tpu.memory_space<vmem>>, vector<16xi32>,
      %le3A_1149 = arith.cmpi sle, %get3A_1148, %add3A_1112 : vector<16xi32>
      %all_reduce_population_count3A_1150 = tpu.all_reduce %le3A_1149 {dim = 0 : i64, kind = #tpu.reduction_kind<sum>} : vector<16xi1> -> vector<16xi32>
      %add3A_1151 = arith.addi %add3A_1146, %all_reduce_population_count3A_1150 : vector<16xi32>
      %ge3A = arith.cmpi sge, %add3A_1151, %broadcast_in_dim3A_7 : vector<16xi32>
      %select_n3A_1152 = arith.select %ge3A, %scan3A_1102, %add3A_1112 : vector<16xi1>, vector<16xi32>
      %select_n3A_1153 = arith.select %ge3A, %add3A_1112, %scan3A_1103 : vector<16xi1>, vector<16xi32>
      scf.yield %select_n3A_1152, %select_n3A_1153 : vector<16xi32>, vector<16xi32>
    }
    %scan3A_373 = arith.constant 34 : i32
    %get3A_374 = arith.constant 0 : index
    %get3A_375 = tpu.vector_load %arg5[%get3A_374] {strides = array<i32>} : memref<128xi32, #tpu.memory_space<vmem>>, vector<16xi32>,
    %lt3A_376 = arith.cmpi slt, %get3A_375, %scan3A_372#1 : vector<16xi32>
    %all_reduce_population_count3A_377 = tpu.all_reduce %lt3A_376 {dim = 0 : i64, kind = #tpu.reduction_kind<sum>} : vector<16xi1> -> vector<16xi32>
    %add3A_378 = arith.addi %broadcast_in_dim3A_3, %all_reduce_population_count3A_377 : vector<16xi32>
    %get3A_379 = arith.constant 16 : index
    %get3A_380 = tpu.vector_load %arg5[%get3A_379] {strides = array<i32>} : memref<128xi32, #tpu.memory_space<vmem>>, vector<16xi32>,
    %lt3A_381 = arith.cmpi slt, %get3A_380, %scan3A_372#1 : vector<16xi32>
    %all_reduce_population_count3A_382 = tpu.all_reduce %lt3A_381 {dim = 0 : i64, kind = #tpu.reduction_kind<sum>} : vector<16xi1> -> vector<16xi32>
    %add3A_383 = arith.addi %add3A_378, %all_reduce_population_count3A_382 : vector<16xi32>
    %get3A_384 = arith.constant 32 : index
    %get3A_385 = tpu.vector_load %arg5[%get3A_384] {strides = array<i32>} : memref<128xi32, #tpu.memory_space<vmem>>, vector<16xi32>,
    %lt3A_386 = arith.cmpi slt, %get3A_385, %scan3A_372#1 : vector<16xi32>
    %all_reduce_population_count3A_387 = tpu.all_reduce %lt3A_386 {dim = 0 : i64, kind = #tpu.reduction_kind<sum>} : vector<16xi1> -> vector<16xi32>
    %add3A_388 = arith.addi %add3A_383, %all_reduce_population_count3A_387 : vector<16xi32>
    %get3A_389 = arith.constant 48 : index
    %get3A_390 = tpu.vector_load %arg5[%get3A_389] {strides = array<i32>} : memref<128xi32, #tpu.memory_space<vmem>>, vector<16xi32>,
    %lt3A_391 = arith.cmpi slt, %get3A_390, %scan3A_372#1 : vector<16xi32>
    %all_reduce_population_count3A_392 = tpu.all_reduce %lt3A_391 {dim = 0 : i64, kind = #tpu.reduction_kind<sum>} : vector<16xi1> -> vector<16xi32>
    %add3A_393 = arith.addi %add3A_388, %all_reduce_population_count3A_392 : vector<16xi32>
    %get3A_394 = arith.constant 64 : index
    %get3A_395 = tpu.vector_load %arg5[%get3A_394] {strides = array<i32>} : memref<128xi32, #tpu.memory_space<vmem>>, vector<16xi32>,
    %lt3A_396 = arith.cmpi slt, %get3A_395, %scan3A_372#1 : vector<16xi32>
    %all_reduce_population_count3A_397 = tpu.all_reduce %lt3A_396 {dim = 0 : i64, kind = #tpu.reduction_kind<sum>} : vector<16xi1> -> vector<16xi32>
    %add3A_398 = arith.addi %add3A_393, %all_reduce_population_count3A_397 : vector<16xi32>
    %get3A_399 = arith.constant 80 : index
    %get3A_400 = tpu.vector_load %arg5[%get3A_399] {strides = array<i32>} : memref<128xi32, #tpu.memory_space<vmem>>, vector<16xi32>,
    %lt3A_401 = arith.cmpi slt, %get3A_400, %scan3A_372#1 : vector<16xi32>
    %all_reduce_population_count3A_402 = tpu.all_reduce %lt3A_401 {dim = 0 : i64, kind = #tpu.reduction_kind<sum>} : vector<16xi1> -> vector<16xi32>
    %add3A_403 = arith.addi %add3A_398, %all_reduce_population_count3A_402 : vector<16xi32>
    %get3A_404 = arith.constant 96 : index
    %get3A_405 = tpu.vector_load %arg5[%get3A_404] {strides = array<i32>} : memref<128xi32, #tpu.memory_space<vmem>>, vector<16xi32>,
    %lt3A_406 = arith.cmpi slt, %get3A_405, %scan3A_372#1 : vector<16xi32>
    %all_reduce_population_count3A_407 = tpu.all_reduce %lt3A_406 {dim = 0 : i64, kind = #tpu.reduction_kind<sum>} : vector<16xi1> -> vector<16xi32>
    %add3A_408 = arith.addi %add3A_403, %all_reduce_population_count3A_407 : vector<16xi32>
    %get3A_409 = arith.constant 112 : index
    %get3A_410 = tpu.vector_load %arg5[%get3A_409] {strides = array<i32>} : memref<128xi32, #tpu.memory_space<vmem>>, vector<16xi32>,
    %lt3A_411 = arith.cmpi slt, %get3A_410, %scan3A_372#1 : vector<16xi32>
    %all_reduce_population_count3A_412 = tpu.all_reduce %lt3A_411 {dim = 0 : i64, kind = #tpu.reduction_kind<sum>} : vector<16xi1> -> vector<16xi32>
    %add3A_413 = arith.addi %add3A_408, %all_reduce_population_count3A_412 : vector<16xi32>
    %sub3A_414 = arith.subi %broadcast_in_dim3A_7, %add3A_413 : vector<16xi32>
    %get3A_415 = arith.constant 0 : index
    %get3A_416 = tpu.vector_load %arg5[%get3A_415] {strides = array<i32>} : memref<128xi32, #tpu.memory_space<vmem>>, vector<16xi32>,
    %lt3A_417 = arith.cmpi slt, %get3A_416, %scan3A_372#1 : vector<16xi32>
    %eq3A_418 = arith.cmpi eq, %get3A_416, %scan3A_372#1 : vector<16xi32>
    %select_n3A_419 = arith.select %eq3A_418, %broadcast_in_dim3A_5, %broadcast_in_dim3A_3 : vector<16xi1>, vector<16xi32>
    %broadcast_in_dim3A_420 = arith.constant true
    %broadcast_in_dim3A_421 = vector.broadcast %broadcast_in_dim3A_420 : i1 to vector<16xi1>
    %masked_cumsum3A_422 = tpu.scan <sum>, %select_n3A_419 masked %broadcast_in_dim3A_421 : vector<16xi32>, vector<16xi1> -> vector<16xi32>
    %sub3A_423 = arith.subi %masked_cumsum3A_422, %select_n3A_419 : vector<16xi32>
    %add3A_424 = arith.addi %sub3A_423, %broadcast_in_dim3A_3 : vector<16xi32>
    %lt3A_425 = arith.cmpi slt, %add3A_424, %sub3A_414 : vector<16xi32>
    %and3A_426 = arith.andi %eq3A_418, %lt3A_425 : vector<16xi1>
    %or3A_427 = arith.ori %lt3A_417, %and3A_426 : vector<16xi1>
    %select_n3A_428 = arith.select %or3A_427, %broadcast_in_dim3A_13, %broadcast_in_dim3A_11 : vector<16xi1>, vector<16xf32>
    %add3A_429 = arith.addf %add3A_162, %select_n3A_428 : vector<16xf32>
    %all_reduce_population_count3A_430 = tpu.all_reduce %eq3A_418 {dim = 0 : i64, kind = #tpu.reduction_kind<sum>} : vector<16xi1> -> vector<16xi32>
    %add3A_431 = arith.addi %broadcast_in_dim3A_3, %all_reduce_population_count3A_430 : vector<16xi32>
    %get3A_432 = arith.constant 16 : index
    %get3A_433 = tpu.vector_load %arg5[%get3A_432] {strides = array<i32>} : memref<128xi32, #tpu.memory_space<vmem>>, vector<16xi32>,
    %lt3A_434 = arith.cmpi slt, %get3A_433, %scan3A_372#1 : vector<16xi32>
    %eq3A_435 = arith.cmpi eq, %get3A_433, %scan3A_372#1 : vector<16xi32>
    %select_n3A_436 = arith.select %eq3A_435, %broadcast_in_dim3A_5, %broadcast_in_dim3A_3 : vector<16xi1>, vector<16xi32>
    %broadcast_in_dim3A_437 = arith.constant true
    %broadcast_in_dim3A_438 = vector.broadcast %broadcast_in_dim3A_437 : i1 to vector<16xi1>
    %masked_cumsum3A_439 = tpu.scan <sum>, %select_n3A_436 masked %broadcast_in_dim3A_438 : vector<16xi32>, vector<16xi1> -> vector<16xi32>
    %sub3A_440 = arith.subi %masked_cumsum3A_439, %select_n3A_436 : vector<16xi32>
    %add3A_441 = arith.addi %sub3A_440, %add3A_431 : vector<16xi32>
    %lt3A_442 = arith.cmpi slt, %add3A_441, %sub3A_414 : vector<16xi32>
    %and3A_443 = arith.andi %eq3A_435, %lt3A_442 : vector<16xi1>
    %or3A_444 = arith.ori %lt3A_434, %and3A_443 : vector<16xi1>
    %select_n3A_445 = arith.select %or3A_444, %broadcast_in_dim3A_13, %broadcast_in_dim3A_11 : vector<16xi1>, vector<16xf32>
    %add3A_446 = arith.addf %add3A_179, %select_n3A_445 : vector<16xf32>
    %all_reduce_population_count3A_447 = tpu.all_reduce %eq3A_435 {dim = 0 : i64, kind = #tpu.reduction_kind<sum>} : vector<16xi1> -> vector<16xi32>
    %add3A_448 = arith.addi %add3A_431, %all_reduce_population_count3A_447 : vector<16xi32>
    %get3A_449 = arith.constant 32 : index
    %get3A_450 = tpu.vector_load %arg5[%get3A_449] {strides = array<i32>} : memref<128xi32, #tpu.memory_space<vmem>>, vector<16xi32>,
    %lt3A_451 = arith.cmpi slt, %get3A_450, %scan3A_372#1 : vector<16xi32>
    %eq3A_452 = arith.cmpi eq, %get3A_450, %scan3A_372#1 : vector<16xi32>
    %select_n3A_453 = arith.select %eq3A_452, %broadcast_in_dim3A_5, %broadcast_in_dim3A_3 : vector<16xi1>, vector<16xi32>
    %broadcast_in_dim3A_454 = arith.constant true
    %broadcast_in_dim3A_455 = vector.broadcast %broadcast_in_dim3A_454 : i1 to vector<16xi1>
    %masked_cumsum3A_456 = tpu.scan <sum>, %select_n3A_453 masked %broadcast_in_dim3A_455 : vector<16xi32>, vector<16xi1> -> vector<16xi32>
    %sub3A_457 = arith.subi %masked_cumsum3A_456, %select_n3A_453 : vector<16xi32>
    %add3A_458 = arith.addi %sub3A_457, %add3A_448 : vector<16xi32>
    %lt3A_459 = arith.cmpi slt, %add3A_458, %sub3A_414 : vector<16xi32>
    %and3A_460 = arith.andi %eq3A_452, %lt3A_459 : vector<16xi1>
    %or3A_461 = arith.ori %lt3A_451, %and3A_460 : vector<16xi1>
    %select_n3A_462 = arith.select %or3A_461, %broadcast_in_dim3A_13, %broadcast_in_dim3A_11 : vector<16xi1>, vector<16xf32>
    %add3A_463 = arith.addf %add3A_196, %select_n3A_462 : vector<16xf32>
    %all_reduce_population_count3A_464 = tpu.all_reduce %eq3A_452 {dim = 0 : i64, kind = #tpu.reduction_kind<sum>} : vector<16xi1> -> vector<16xi32>
    %add3A_465 = arith.addi %add3A_448, %all_reduce_population_count3A_464 : vector<16xi32>
    %get3A_466 = arith.constant 48 : index
    %get3A_467 = tpu.vector_load %arg5[%get3A_466] {strides = array<i32>} : memref<128xi32, #tpu.memory_space<vmem>>, vector<16xi32>,
    %lt3A_468 = arith.cmpi slt, %get3A_467, %scan3A_372#1 : vector<16xi32>
    %eq3A_469 = arith.cmpi eq, %get3A_467, %scan3A_372#1 : vector<16xi32>
    %select_n3A_470 = arith.select %eq3A_469, %broadcast_in_dim3A_5, %broadcast_in_dim3A_3 : vector<16xi1>, vector<16xi32>
    %broadcast_in_dim3A_471 = arith.constant true
    %broadcast_in_dim3A_472 = vector.broadcast %broadcast_in_dim3A_471 : i1 to vector<16xi1>
    %masked_cumsum3A_473 = tpu.scan <sum>, %select_n3A_470 masked %broadcast_in_dim3A_472 : vector<16xi32>, vector<16xi1> -> vector<16xi32>
    %sub3A_474 = arith.subi %masked_cumsum3A_473, %select_n3A_470 : vector<16xi32>
    %add3A_475 = arith.addi %sub3A_474, %add3A_465 : vector<16xi32>
    %lt3A_476 = arith.cmpi slt, %add3A_475, %sub3A_414 : vector<16xi32>
    %and3A_477 = arith.andi %eq3A_469, %lt3A_476 : vector<16xi1>
    %or3A_478 = arith.ori %lt3A_468, %and3A_477 : vector<16xi1>
    %select_n3A_479 = arith.select %or3A_478, %broadcast_in_dim3A_13, %broadcast_in_dim3A_11 : vector<16xi1>, vector<16xf32>
    %add3A_480 = arith.addf %add3A_213, %select_n3A_479 : vector<16xf32>
    %all_reduce_population_count3A_481 = tpu.all_reduce %eq3A_469 {dim = 0 : i64, kind = #tpu.reduction_kind<sum>} : vector<16xi1> -> vector<16xi32>
    %add3A_482 = arith.addi %add3A_465, %all_reduce_population_count3A_481 : vector<16xi32>
    %get3A_483 = arith.constant 64 : index
    %get3A_484 = tpu.vector_load %arg5[%get3A_483] {strides = array<i32>} : memref<128xi32, #tpu.memory_space<vmem>>, vector<16xi32>,
    %lt3A_485 = arith.cmpi slt, %get3A_484, %scan3A_372#1 : vector<16xi32>
    %eq3A_486 = arith.cmpi eq, %get3A_484, %scan3A_372#1 : vector<16xi32>
    %select_n3A_487 = arith.select %eq3A_486, %broadcast_in_dim3A_5, %broadcast_in_dim3A_3 : vector<16xi1>, vector<16xi32>
    %broadcast_in_dim3A_488 = arith.constant true
    %broadcast_in_dim3A_489 = vector.broadcast %broadcast_in_dim3A_488 : i1 to vector<16xi1>
    %masked_cumsum3A_490 = tpu.scan <sum>, %select_n3A_487 masked %broadcast_in_dim3A_489 : vector<16xi32>, vector<16xi1> -> vector<16xi32>
    %sub3A_491 = arith.subi %masked_cumsum3A_490, %select_n3A_487 : vector<16xi32>
    %add3A_492 = arith.addi %sub3A_491, %add3A_482 : vector<16xi32>
    %lt3A_493 = arith.cmpi slt, %add3A_492, %sub3A_414 : vector<16xi32>
    %and3A_494 = arith.andi %eq3A_486, %lt3A_493 : vector<16xi1>
    %or3A_495 = arith.ori %lt3A_485, %and3A_494 : vector<16xi1>
    %select_n3A_496 = arith.select %or3A_495, %broadcast_in_dim3A_13, %broadcast_in_dim3A_11 : vector<16xi1>, vector<16xf32>
    %add3A_497 = arith.addf %add3A_230, %select_n3A_496 : vector<16xf32>
    %all_reduce_population_count3A_498 = tpu.all_reduce %eq3A_486 {dim = 0 : i64, kind = #tpu.reduction_kind<sum>} : vector<16xi1> -> vector<16xi32>
    %add3A_499 = arith.addi %add3A_482, %all_reduce_population_count3A_498 : vector<16xi32>
    %get3A_500 = arith.constant 80 : index
    %get3A_501 = tpu.vector_load %arg5[%get3A_500] {strides = array<i32>} : memref<128xi32, #tpu.memory_space<vmem>>, vector<16xi32>,
    %lt3A_502 = arith.cmpi slt, %get3A_501, %scan3A_372#1 : vector<16xi32>
    %eq3A_503 = arith.cmpi eq, %get3A_501, %scan3A_372#1 : vector<16xi32>
    %select_n3A_504 = arith.select %eq3A_503, %broadcast_in_dim3A_5, %broadcast_in_dim3A_3 : vector<16xi1>, vector<16xi32>
    %broadcast_in_dim3A_505 = arith.constant true
    %broadcast_in_dim3A_506 = vector.broadcast %broadcast_in_dim3A_505 : i1 to vector<16xi1>
    %masked_cumsum3A_507 = tpu.scan <sum>, %select_n3A_504 masked %broadcast_in_dim3A_506 : vector<16xi32>, vector<16xi1> -> vector<16xi32>
    %sub3A_508 = arith.subi %masked_cumsum3A_507, %select_n3A_504 : vector<16xi32>
    %add3A_509 = arith.addi %sub3A_508, %add3A_499 : vector<16xi32>
    %lt3A_510 = arith.cmpi slt, %add3A_509, %sub3A_414 : vector<16xi32>
    %and3A_511 = arith.andi %eq3A_503, %lt3A_510 : vector<16xi1>
    %or3A_512 = arith.ori %lt3A_502, %and3A_511 : vector<16xi1>
    %select_n3A_513 = arith.select %or3A_512, %broadcast_in_dim3A_13, %broadcast_in_dim3A_11 : vector<16xi1>, vector<16xf32>
    %add3A_514 = arith.addf %add3A_247, %select_n3A_513 : vector<16xf32>
    %all_reduce_population_count3A_515 = tpu.all_reduce %eq3A_503 {dim = 0 : i64, kind = #tpu.reduction_kind<sum>} : vector<16xi1> -> vector<16xi32>
    %add3A_516 = arith.addi %add3A_499, %all_reduce_population_count3A_515 : vector<16xi32>
    %get3A_517 = arith.constant 96 : index
    %get3A_518 = tpu.vector_load %arg5[%get3A_517] {strides = array<i32>} : memref<128xi32, #tpu.memory_space<vmem>>, vector<16xi32>,
    %lt3A_519 = arith.cmpi slt, %get3A_518, %scan3A_372#1 : vector<16xi32>
    %eq3A_520 = arith.cmpi eq, %get3A_518, %scan3A_372#1 : vector<16xi32>
    %select_n3A_521 = arith.select %eq3A_520, %broadcast_in_dim3A_5, %broadcast_in_dim3A_3 : vector<16xi1>, vector<16xi32>
    %broadcast_in_dim3A_522 = arith.constant true
    %broadcast_in_dim3A_523 = vector.broadcast %broadcast_in_dim3A_522 : i1 to vector<16xi1>
    %masked_cumsum3A_524 = tpu.scan <sum>, %select_n3A_521 masked %broadcast_in_dim3A_523 : vector<16xi32>, vector<16xi1> -> vector<16xi32>
    %sub3A_525 = arith.subi %masked_cumsum3A_524, %select_n3A_521 : vector<16xi32>
    %add3A_526 = arith.addi %sub3A_525, %add3A_516 : vector<16xi32>
    %lt3A_527 = arith.cmpi slt, %add3A_526, %sub3A_414 : vector<16xi32>
    %and3A_528 = arith.andi %eq3A_520, %lt3A_527 : vector<16xi1>
    %or3A_529 = arith.ori %lt3A_519, %and3A_528 : vector<16xi1>
    %select_n3A_530 = arith.select %or3A_529, %broadcast_in_dim3A_13, %broadcast_in_dim3A_11 : vector<16xi1>, vector<16xf32>
    %add3A_531 = arith.addf %add3A_264, %select_n3A_530 : vector<16xf32>
    %all_reduce_population_count3A_532 = tpu.all_reduce %eq3A_520 {dim = 0 : i64, kind = #tpu.reduction_kind<sum>} : vector<16xi1> -> vector<16xi32>
    %add3A_533 = arith.addi %add3A_516, %all_reduce_population_count3A_532 : vector<16xi32>
    %get3A_534 = arith.constant 112 : index
    %get3A_535 = tpu.vector_load %arg5[%get3A_534] {strides = array<i32>} : memref<128xi32, #tpu.memory_space<vmem>>, vector<16xi32>,
    %lt3A_536 = arith.cmpi slt, %get3A_535, %scan3A_372#1 : vector<16xi32>
    %eq3A_537 = arith.cmpi eq, %get3A_535, %scan3A_372#1 : vector<16xi32>
    %select_n3A_538 = arith.select %eq3A_537, %broadcast_in_dim3A_5, %broadcast_in_dim3A_3 : vector<16xi1>, vector<16xi32>
    %broadcast_in_dim3A_539 = arith.constant true
    %broadcast_in_dim3A_540 = vector.broadcast %broadcast_in_dim3A_539 : i1 to vector<16xi1>
    %masked_cumsum3A_541 = tpu.scan <sum>, %select_n3A_538 masked %broadcast_in_dim3A_540 : vector<16xi32>, vector<16xi1> -> vector<16xi32>
    %sub3A_542 = arith.subi %masked_cumsum3A_541, %select_n3A_538 : vector<16xi32>
    %add3A_543 = arith.addi %sub3A_542, %add3A_533 : vector<16xi32>
    %lt3A_544 = arith.cmpi slt, %add3A_543, %sub3A_414 : vector<16xi32>
    %and3A_545 = arith.andi %eq3A_537, %lt3A_544 : vector<16xi1>
    %or3A_546 = arith.ori %lt3A_536, %and3A_545 : vector<16xi1>
    %select_n3A_547 = arith.select %or3A_546, %broadcast_in_dim3A_13, %broadcast_in_dim3A_11 : vector<16xi1>, vector<16xf32>
    %add3A_548 = arith.addf %add3A_281, %select_n3A_547 : vector<16xf32>
    %all_reduce_population_count3A_549 = tpu.all_reduce %eq3A_537 {dim = 0 : i64, kind = #tpu.reduction_kind<sum>} : vector<16xi1> -> vector<16xi32>
    %add3A_550 = arith.addi %add3A_533, %all_reduce_population_count3A_549 : vector<16xi32>
    %get3A_551 = arith.constant 2 : i32
    %get3A_552 = arith.index_cast %get3A_551 : i32 to index
    %get3A_553 = arith.constant 0 : index
    %get3A_554 = tpu.vector_load %arg4[%get3A_552, %get3A_553] {strides = array<i32>} : memref<4x128xf32, #tpu.memory_space<vmem>>, vector<16xf32>,
    %bitcast3A_555 = vector.bitcast %get3A_554 : vector<16xf32> to vector<16xi32>
    %lt3A_556 = arith.cmpi slt, %bitcast3A_555, %broadcast_in_dim3A_3 : vector<16xi32>
    %xor3A_557 = arith.xori %bitcast3A_555, %broadcast_in_dim3A_9 : vector<16xi32>
    %select_n3A_558 = arith.select %lt3A_556, %xor3A_557, %bitcast3A_555 : vector<16xi1>, vector<16xi32>
    %swap3A_559 = arith.constant 0 : index
    %swap3A_560 = tpu.vector_load %arg5[%swap3A_559] {strides = array<i32>} : memref<128xi32, #tpu.memory_space<vmem>>, vector<16xi32>,
    tpu.vector_store %arg5[%swap3A_559], %select_n3A_558 {strides = array<i32>} : memref<128xi32, #tpu.memory_space<vmem>>, vector<16xi32>,
    %get3A_561 = arith.constant 2 : i32
    %get3A_562 = arith.index_cast %get3A_561 : i32 to index
    %get3A_563 = arith.constant 16 : index
    %get3A_564 = tpu.vector_load %arg4[%get3A_562, %get3A_563] {strides = array<i32>} : memref<4x128xf32, #tpu.memory_space<vmem>>, vector<16xf32>,
    %bitcast3A_565 = vector.bitcast %get3A_564 : vector<16xf32> to vector<16xi32>
    %lt3A_566 = arith.cmpi slt, %bitcast3A_565, %broadcast_in_dim3A_3 : vector<16xi32>
    %xor3A_567 = arith.xori %bitcast3A_565, %broadcast_in_dim3A_9 : vector<16xi32>
    %select_n3A_568 = arith.select %lt3A_566, %xor3A_567, %bitcast3A_565 : vector<16xi1>, vector<16xi32>
    %swap3A_569 = arith.constant 16 : index
    %swap3A_570 = tpu.vector_load %arg5[%swap3A_569] {strides = array<i32>} : memref<128xi32, #tpu.memory_space<vmem>>, vector<16xi32>,
    tpu.vector_store %arg5[%swap3A_569], %select_n3A_568 {strides = array<i32>} : memref<128xi32, #tpu.memory_space<vmem>>, vector<16xi32>,
    %get3A_571 = arith.constant 2 : i32
    %get3A_572 = arith.index_cast %get3A_571 : i32 to index
    %get3A_573 = arith.constant 32 : index
    %get3A_574 = tpu.vector_load %arg4[%get3A_572, %get3A_573] {strides = array<i32>} : memref<4x128xf32, #tpu.memory_space<vmem>>, vector<16xf32>,
    %bitcast3A_575 = vector.bitcast %get3A_574 : vector<16xf32> to vector<16xi32>
    %lt3A_576 = arith.cmpi slt, %bitcast3A_575, %broadcast_in_dim3A_3 : vector<16xi32>
    %xor3A_577 = arith.xori %bitcast3A_575, %broadcast_in_dim3A_9 : vector<16xi32>
    %select_n3A_578 = arith.select %lt3A_576, %xor3A_577, %bitcast3A_575 : vector<16xi1>, vector<16xi32>
    %swap3A_579 = arith.constant 32 : index
    %swap3A_580 = tpu.vector_load %arg5[%swap3A_579] {strides = array<i32>} : memref<128xi32, #tpu.memory_space<vmem>>, vector<16xi32>,
    tpu.vector_store %arg5[%swap3A_579], %select_n3A_578 {strides = array<i32>} : memref<128xi32, #tpu.memory_space<vmem>>, vector<16xi32>,
    %get3A_581 = arith.constant 2 : i32
    %get3A_582 = arith.index_cast %get3A_581 : i32 to index
    %get3A_583 = arith.constant 48 : index
    %get3A_584 = tpu.vector_load %arg4[%get3A_582, %get3A_583] {strides = array<i32>} : memref<4x128xf32, #tpu.memory_space<vmem>>, vector<16xf32>,
    %bitcast3A_585 = vector.bitcast %get3A_584 : vector<16xf32> to vector<16xi32>
    %lt3A_586 = arith.cmpi slt, %bitcast3A_585, %broadcast_in_dim3A_3 : vector<16xi32>
    %xor3A_587 = arith.xori %bitcast3A_585, %broadcast_in_dim3A_9 : vector<16xi32>
    %select_n3A_588 = arith.select %lt3A_586, %xor3A_587, %bitcast3A_585 : vector<16xi1>, vector<16xi32>
    %swap3A_589 = arith.constant 48 : index
    %swap3A_590 = tpu.vector_load %arg5[%swap3A_589] {strides = array<i32>} : memref<128xi32, #tpu.memory_space<vmem>>, vector<16xi32>,
    tpu.vector_store %arg5[%swap3A_589], %select_n3A_588 {strides = array<i32>} : memref<128xi32, #tpu.memory_space<vmem>>, vector<16xi32>,
    %get3A_591 = arith.constant 2 : i32
    %get3A_592 = arith.index_cast %get3A_591 : i32 to index
    %get3A_593 = arith.constant 64 : index
    %get3A_594 = tpu.vector_load %arg4[%get3A_592, %get3A_593] {strides = array<i32>} : memref<4x128xf32, #tpu.memory_space<vmem>>, vector<16xf32>,
    %bitcast3A_595 = vector.bitcast %get3A_594 : vector<16xf32> to vector<16xi32>
    %lt3A_596 = arith.cmpi slt, %bitcast3A_595, %broadcast_in_dim3A_3 : vector<16xi32>
    %xor3A_597 = arith.xori %bitcast3A_595, %broadcast_in_dim3A_9 : vector<16xi32>
    %select_n3A_598 = arith.select %lt3A_596, %xor3A_597, %bitcast3A_595 : vector<16xi1>, vector<16xi32>
    %swap3A_599 = arith.constant 64 : index
    %swap3A_600 = tpu.vector_load %arg5[%swap3A_599] {strides = array<i32>} : memref<128xi32, #tpu.memory_space<vmem>>, vector<16xi32>,
    tpu.vector_store %arg5[%swap3A_599], %select_n3A_598 {strides = array<i32>} : memref<128xi32, #tpu.memory_space<vmem>>, vector<16xi32>,
    %get3A_601 = arith.constant 2 : i32
    %get3A_602 = arith.index_cast %get3A_601 : i32 to index
    %get3A_603 = arith.constant 80 : index
    %get3A_604 = tpu.vector_load %arg4[%get3A_602, %get3A_603] {strides = array<i32>} : memref<4x128xf32, #tpu.memory_space<vmem>>, vector<16xf32>,
    %bitcast3A_605 = vector.bitcast %get3A_604 : vector<16xf32> to vector<16xi32>
    %lt3A_606 = arith.cmpi slt, %bitcast3A_605, %broadcast_in_dim3A_3 : vector<16xi32>
    %xor3A_607 = arith.xori %bitcast3A_605, %broadcast_in_dim3A_9 : vector<16xi32>
    %select_n3A_608 = arith.select %lt3A_606, %xor3A_607, %bitcast3A_605 : vector<16xi1>, vector<16xi32>
    %swap3A_609 = arith.constant 80 : index
    %swap3A_610 = tpu.vector_load %arg5[%swap3A_609] {strides = array<i32>} : memref<128xi32, #tpu.memory_space<vmem>>, vector<16xi32>,
    tpu.vector_store %arg5[%swap3A_609], %select_n3A_608 {strides = array<i32>} : memref<128xi32, #tpu.memory_space<vmem>>, vector<16xi32>,
    %get3A_611 = arith.constant 2 : i32
    %get3A_612 = arith.index_cast %get3A_611 : i32 to index
    %get3A_613 = arith.constant 96 : index
    %get3A_614 = tpu.vector_load %arg4[%get3A_612, %get3A_613] {strides = array<i32>} : memref<4x128xf32, #tpu.memory_space<vmem>>, vector<16xf32>,
    %bitcast3A_615 = vector.bitcast %get3A_614 : vector<16xf32> to vector<16xi32>
    %lt3A_616 = arith.cmpi slt, %bitcast3A_615, %broadcast_in_dim3A_3 : vector<16xi32>
    %xor3A_617 = arith.xori %bitcast3A_615, %broadcast_in_dim3A_9 : vector<16xi32>
    %select_n3A_618 = arith.select %lt3A_616, %xor3A_617, %bitcast3A_615 : vector<16xi1>, vector<16xi32>
    %swap3A_619 = arith.constant 96 : index
    %swap3A_620 = tpu.vector_load %arg5[%swap3A_619] {strides = array<i32>} : memref<128xi32, #tpu.memory_space<vmem>>, vector<16xi32>,
    tpu.vector_store %arg5[%swap3A_619], %select_n3A_618 {strides = array<i32>} : memref<128xi32, #tpu.memory_space<vmem>>, vector<16xi32>,
    %get3A_621 = arith.constant 2 : i32
    %get3A_622 = arith.index_cast %get3A_621 : i32 to index
    %get3A_623 = arith.constant 112 : index
    %get3A_624 = tpu.vector_load %arg4[%get3A_622, %get3A_623] {strides = array<i32>} : memref<4x128xf32, #tpu.memory_space<vmem>>, vector<16xf32>,
    %bitcast3A_625 = vector.bitcast %get3A_624 : vector<16xf32> to vector<16xi32>
    %lt3A_626 = arith.cmpi slt, %bitcast3A_625, %broadcast_in_dim3A_3 : vector<16xi32>
    %xor3A_627 = arith.xori %bitcast3A_625, %broadcast_in_dim3A_9 : vector<16xi32>
    %select_n3A_628 = arith.select %lt3A_626, %xor3A_627, %bitcast3A_625 : vector<16xi1>, vector<16xi32>
    %swap3A_629 = arith.constant 112 : index
    %swap3A_630 = tpu.vector_load %arg5[%swap3A_629] {strides = array<i32>} : memref<128xi32, #tpu.memory_space<vmem>>, vector<16xi32>,
    tpu.vector_store %arg5[%swap3A_629], %select_n3A_628 {strides = array<i32>} : memref<128xi32, #tpu.memory_space<vmem>>, vector<16xi32>,
    %broadcast_in_dim3A_631 = arith.constant -2147483648 : i32
    %broadcast_in_dim3A_632 = vector.broadcast %broadcast_in_dim3A_631 : i32 to vector<16xi32>
    %broadcast_in_dim3A_633 = arith.constant 2147483647 : i32
    %broadcast_in_dim3A_634 = vector.broadcast %broadcast_in_dim3A_633 : i32 to vector<16xi32>
    %scan3A_635 = arith.constant 0 : i32
    %scan3A_636 = arith.constant 34 : i32
    %scan3A_637 = arith.addi %scan3A_635, %scan3A_636 : i32
    %scan3A_638 = arith.constant 1 : i32
    %scan3A_639:2 = scf.for %scan3A_1101 = %scan3A_635 to %scan3A_637 step %scan3A_638 iter_args(%scan3A_1102 = %broadcast_in_dim3A_632, %scan3A_1103 = %broadcast_in_dim3A_634) -> (vector<16xi32>, vector<16xi32>)  : i32 {
      %shift_right_arithmetic3A = arith.constant 1 : i32
      %shift_right_arithmetic3A_1104 = vector.broadcast %shift_right_arithmetic3A : i32 to vector<16xi32>
      %shift_right_arithmetic3A_1105 = arith.shrsi %scan3A_1102, %shift_right_arithmetic3A_1104 : vector<16xi32>
      %shift_right_arithmetic3A_1106 = arith.constant 1 : i32
      %shift_right_arithmetic3A_1107 = vector.broadcast %shift_right_arithmetic3A_1106 : i32 to vector<16xi32>
      %shift_right_arithmetic3A_1108 = arith.shrsi %scan3A_1103, %shift_right_arithmetic3A_1107 : vector<16xi32>
      %add3A_1109 = arith.addi %shift_right_arithmetic3A_1105, %shift_right_arithmetic3A_1108 : vector<16xi32>
      %and3A_1110 = arith.andi %scan3A_1102, %scan3A_1103 : vector<16xi32>
      %and3A_1111 = arith.andi %and3A_1110, %broadcast_in_dim3A_5 : vector<16xi32>
      %add3A_1112 = arith.addi %add3A_1109, %and3A_1111 : vector<16xi32>
      %get3A_1113 = arith.constant 0 : index
      %get3A_1114 = tpu.vector_load %arg5[%get3A_1113] {strides = array<i32>} : memref<128xi32, #tpu.memory_space<vmem>>, vector<16xi32>,
      %le3A = arith.cmpi sle, %get3A_1114, %add3A_1112 : vector<16xi32>
      %all_reduce_population_count3A_1115 = tpu.all_reduce %le3A {dim = 0 : i64, kind = #tpu.reduction_kind<sum>} : vector<16xi1> -> vector<16xi32>
      %add3A_1116 = arith.addi %broadcast_in_dim3A_3, %all_reduce_population_count3A_1115 : vector<16xi32>
      %get3A_1117 = arith.constant 16 : index
      %get3A_1118 = tpu.vector_load %arg5[%get3A_1117] {strides = array<i32>} : memref<128xi32, #tpu.memory_space<vmem>>, vector<16xi32>,
      %le3A_1119 = arith.cmpi sle, %get3A_1118, %add3A_1112 : vector<16xi32>
      %all_reduce_population_count3A_1120 = tpu.all_reduce %le3A_1119 {dim = 0 : i64, kind = #tpu.reduction_kind<sum>} : vector<16xi1> -> vector<16xi32>
      %add3A_1121 = arith.addi %add3A_1116, %all_reduce_population_count3A_1120 : vector<16xi32>
      %get3A_1122 = arith.constant 32 : index
      %get3A_1123 = tpu.vector_load %arg5[%get3A_1122] {strides = array<i32>} : memref<128xi32, #tpu.memory_space<vmem>>, vector<16xi32>,
      %le3A_1124 = arith.cmpi sle, %get3A_1123, %add3A_1112 : vector<16xi32>
      %all_reduce_population_count3A_1125 = tpu.all_reduce %le3A_1124 {dim = 0 : i64, kind = #tpu.reduction_kind<sum>} : vector<16xi1> -> vector<16xi32>
      %add3A_1126 = arith.addi %add3A_1121, %all_reduce_population_count3A_1125 : vector<16xi32>
      %get3A_1127 = arith.constant 48 : index
      %get3A_1128 = tpu.vector_load %arg5[%get3A_1127] {strides = array<i32>} : memref<128xi32, #tpu.memory_space<vmem>>, vector<16xi32>,
      %le3A_1129 = arith.cmpi sle, %get3A_1128, %add3A_1112 : vector<16xi32>
      %all_reduce_population_count3A_1130 = tpu.all_reduce %le3A_1129 {dim = 0 : i64, kind = #tpu.reduction_kind<sum>} : vector<16xi1> -> vector<16xi32>
      %add3A_1131 = arith.addi %add3A_1126, %all_reduce_population_count3A_1130 : vector<16xi32>
      %get3A_1132 = arith.constant 64 : index
      %get3A_1133 = tpu.vector_load %arg5[%get3A_1132] {strides = array<i32>} : memref<128xi32, #tpu.memory_space<vmem>>, vector<16xi32>,
      %le3A_1134 = arith.cmpi sle, %get3A_1133, %add3A_1112 : vector<16xi32>
      %all_reduce_population_count3A_1135 = tpu.all_reduce %le3A_1134 {dim = 0 : i64, kind = #tpu.reduction_kind<sum>} : vector<16xi1> -> vector<16xi32>
      %add3A_1136 = arith.addi %add3A_1131, %all_reduce_population_count3A_1135 : vector<16xi32>
      %get3A_1137 = arith.constant 80 : index
      %get3A_1138 = tpu.vector_load %arg5[%get3A_1137] {strides = array<i32>} : memref<128xi32, #tpu.memory_space<vmem>>, vector<16xi32>,
      %le3A_1139 = arith.cmpi sle, %get3A_1138, %add3A_1112 : vector<16xi32>
      %all_reduce_population_count3A_1140 = tpu.all_reduce %le3A_1139 {dim = 0 : i64, kind = #tpu.reduction_kind<sum>} : vector<16xi1> -> vector<16xi32>
      %add3A_1141 = arith.addi %add3A_1136, %all_reduce_population_count3A_1140 : vector<16xi32>
      %get3A_1142 = arith.constant 96 : index
      %get3A_1143 = tpu.vector_load %arg5[%get3A_1142] {strides = array<i32>} : memref<128xi32, #tpu.memory_space<vmem>>, vector<16xi32>,
      %le3A_1144 = arith.cmpi sle, %get3A_1143, %add3A_1112 : vector<16xi32>
      %all_reduce_population_count3A_1145 = tpu.all_reduce %le3A_1144 {dim = 0 : i64, kind = #tpu.reduction_kind<sum>} : vector<16xi1> -> vector<16xi32>
      %add3A_1146 = arith.addi %add3A_1141, %all_reduce_population_count3A_1145 : vector<16xi32>
      %get3A_1147 = arith.constant 112 : index
      %get3A_1148 = tpu.vector_load %arg5[%get3A_1147] {strides = array<i32>} : memref<128xi32, #tpu.memory_space<vmem>>, vector<16xi32>,
      %le3A_1149 = arith.cmpi sle, %get3A_1148, %add3A_1112 : vector<16xi32>
      %all_reduce_population_count3A_1150 = tpu.all_reduce %le3A_1149 {dim = 0 : i64, kind = #tpu.reduction_kind<sum>} : vector<16xi1> -> vector<16xi32>
      %add3A_1151 = arith.addi %add3A_1146, %all_reduce_population_count3A_1150 : vector<16xi32>
      %ge3A = arith.cmpi sge, %add3A_1151, %broadcast_in_dim3A_7 : vector<16xi32>
      %select_n3A_1152 = arith.select %ge3A, %scan3A_1102, %add3A_1112 : vector<16xi1>, vector<16xi32>
      %select_n3A_1153 = arith.select %ge3A, %add3A_1112, %scan3A_1103 : vector<16xi1>, vector<16xi32>
      scf.yield %select_n3A_1152, %select_n3A_1153 : vector<16xi32>, vector<16xi32>
    }
    %scan3A_640 = arith.constant 34 : i32
    %get3A_641 = arith.constant 0 : index
    %get3A_642 = tpu.vector_load %arg5[%get3A_641] {strides = array<i32>} : memref<128xi32, #tpu.memory_space<vmem>>, vector<16xi32>,
    %lt3A_643 = arith.cmpi slt, %get3A_642, %scan3A_639#1 : vector<16xi32>
    %all_reduce_population_count3A_644 = tpu.all_reduce %lt3A_643 {dim = 0 : i64, kind = #tpu.reduction_kind<sum>} : vector<16xi1> -> vector<16xi32>
    %add3A_645 = arith.addi %broadcast_in_dim3A_3, %all_reduce_population_count3A_644 : vector<16xi32>
    %get3A_646 = arith.constant 16 : index
    %get3A_647 = tpu.vector_load %arg5[%get3A_646] {strides = array<i32>} : memref<128xi32, #tpu.memory_space<vmem>>, vector<16xi32>,
    %lt3A_648 = arith.cmpi slt, %get3A_647, %scan3A_639#1 : vector<16xi32>
    %all_reduce_population_count3A_649 = tpu.all_reduce %lt3A_648 {dim = 0 : i64, kind = #tpu.reduction_kind<sum>} : vector<16xi1> -> vector<16xi32>
    %add3A_650 = arith.addi %add3A_645, %all_reduce_population_count3A_649 : vector<16xi32>
    %get3A_651 = arith.constant 32 : index
    %get3A_652 = tpu.vector_load %arg5[%get3A_651] {strides = array<i32>} : memref<128xi32, #tpu.memory_space<vmem>>, vector<16xi32>,
    %lt3A_653 = arith.cmpi slt, %get3A_652, %scan3A_639#1 : vector<16xi32>
    %all_reduce_population_count3A_654 = tpu.all_reduce %lt3A_653 {dim = 0 : i64, kind = #tpu.reduction_kind<sum>} : vector<16xi1> -> vector<16xi32>
    %add3A_655 = arith.addi %add3A_650, %all_reduce_population_count3A_654 : vector<16xi32>
    %get3A_656 = arith.constant 48 : index
    %get3A_657 = tpu.vector_load %arg5[%get3A_656] {strides = array<i32>} : memref<128xi32, #tpu.memory_space<vmem>>, vector<16xi32>,
    %lt3A_658 = arith.cmpi slt, %get3A_657, %scan3A_639#1 : vector<16xi32>
    %all_reduce_population_count3A_659 = tpu.all_reduce %lt3A_658 {dim = 0 : i64, kind = #tpu.reduction_kind<sum>} : vector<16xi1> -> vector<16xi32>
    %add3A_660 = arith.addi %add3A_655, %all_reduce_population_count3A_659 : vector<16xi32>
    %get3A_661 = arith.constant 64 : index
    %get3A_662 = tpu.vector_load %arg5[%get3A_661] {strides = array<i32>} : memref<128xi32, #tpu.memory_space<vmem>>, vector<16xi32>,
    %lt3A_663 = arith.cmpi slt, %get3A_662, %scan3A_639#1 : vector<16xi32>
    %all_reduce_population_count3A_664 = tpu.all_reduce %lt3A_663 {dim = 0 : i64, kind = #tpu.reduction_kind<sum>} : vector<16xi1> -> vector<16xi32>
    %add3A_665 = arith.addi %add3A_660, %all_reduce_population_count3A_664 : vector<16xi32>
    %get3A_666 = arith.constant 80 : index
    %get3A_667 = tpu.vector_load %arg5[%get3A_666] {strides = array<i32>} : memref<128xi32, #tpu.memory_space<vmem>>, vector<16xi32>,
    %lt3A_668 = arith.cmpi slt, %get3A_667, %scan3A_639#1 : vector<16xi32>
    %all_reduce_population_count3A_669 = tpu.all_reduce %lt3A_668 {dim = 0 : i64, kind = #tpu.reduction_kind<sum>} : vector<16xi1> -> vector<16xi32>
    %add3A_670 = arith.addi %add3A_665, %all_reduce_population_count3A_669 : vector<16xi32>
    %get3A_671 = arith.constant 96 : index
    %get3A_672 = tpu.vector_load %arg5[%get3A_671] {strides = array<i32>} : memref<128xi32, #tpu.memory_space<vmem>>, vector<16xi32>,
    %lt3A_673 = arith.cmpi slt, %get3A_672, %scan3A_639#1 : vector<16xi32>
    %all_reduce_population_count3A_674 = tpu.all_reduce %lt3A_673 {dim = 0 : i64, kind = #tpu.reduction_kind<sum>} : vector<16xi1> -> vector<16xi32>
    %add3A_675 = arith.addi %add3A_670, %all_reduce_population_count3A_674 : vector<16xi32>
    %get3A_676 = arith.constant 112 : index
    %get3A_677 = tpu.vector_load %arg5[%get3A_676] {strides = array<i32>} : memref<128xi32, #tpu.memory_space<vmem>>, vector<16xi32>,
    %lt3A_678 = arith.cmpi slt, %get3A_677, %scan3A_639#1 : vector<16xi32>
    %all_reduce_population_count3A_679 = tpu.all_reduce %lt3A_678 {dim = 0 : i64, kind = #tpu.reduction_kind<sum>} : vector<16xi1> -> vector<16xi32>
    %add3A_680 = arith.addi %add3A_675, %all_reduce_population_count3A_679 : vector<16xi32>
    %sub3A_681 = arith.subi %broadcast_in_dim3A_7, %add3A_680 : vector<16xi32>
    %get3A_682 = arith.constant 0 : index
    %get3A_683 = tpu.vector_load %arg5[%get3A_682] {strides = array<i32>} : memref<128xi32, #tpu.memory_space<vmem>>, vector<16xi32>,
    %lt3A_684 = arith.cmpi slt, %get3A_683, %scan3A_639#1 : vector<16xi32>
    %eq3A_685 = arith.cmpi eq, %get3A_683, %scan3A_639#1 : vector<16xi32>
    %select_n3A_686 = arith.select %eq3A_685, %broadcast_in_dim3A_5, %broadcast_in_dim3A_3 : vector<16xi1>, vector<16xi32>
    %broadcast_in_dim3A_687 = arith.constant true
    %broadcast_in_dim3A_688 = vector.broadcast %broadcast_in_dim3A_687 : i1 to vector<16xi1>
    %masked_cumsum3A_689 = tpu.scan <sum>, %select_n3A_686 masked %broadcast_in_dim3A_688 : vector<16xi32>, vector<16xi1> -> vector<16xi32>
    %sub3A_690 = arith.subi %masked_cumsum3A_689, %select_n3A_686 : vector<16xi32>
    %add3A_691 = arith.addi %sub3A_690, %broadcast_in_dim3A_3 : vector<16xi32>
    %lt3A_692 = arith.cmpi slt, %add3A_691, %sub3A_681 : vector<16xi32>
    %and3A_693 = arith.andi %eq3A_685, %lt3A_692 : vector<16xi1>
    %or3A_694 = arith.ori %lt3A_684, %and3A_693 : vector<16xi1>
    %select_n3A_695 = arith.select %or3A_694, %broadcast_in_dim3A_13, %broadcast_in_dim3A_11 : vector<16xi1>, vector<16xf32>
    %add3A_696 = arith.addf %add3A_429, %select_n3A_695 : vector<16xf32>
    %all_reduce_population_count3A_697 = tpu.all_reduce %eq3A_685 {dim = 0 : i64, kind = #tpu.reduction_kind<sum>} : vector<16xi1> -> vector<16xi32>
    %add3A_698 = arith.addi %broadcast_in_dim3A_3, %all_reduce_population_count3A_697 : vector<16xi32>
    %get3A_699 = arith.constant 16 : index
    %get3A_700 = tpu.vector_load %arg5[%get3A_699] {strides = array<i32>} : memref<128xi32, #tpu.memory_space<vmem>>, vector<16xi32>,
    %lt3A_701 = arith.cmpi slt, %get3A_700, %scan3A_639#1 : vector<16xi32>
    %eq3A_702 = arith.cmpi eq, %get3A_700, %scan3A_639#1 : vector<16xi32>
    %select_n3A_703 = arith.select %eq3A_702, %broadcast_in_dim3A_5, %broadcast_in_dim3A_3 : vector<16xi1>, vector<16xi32>
    %broadcast_in_dim3A_704 = arith.constant true
    %broadcast_in_dim3A_705 = vector.broadcast %broadcast_in_dim3A_704 : i1 to vector<16xi1>
    %masked_cumsum3A_706 = tpu.scan <sum>, %select_n3A_703 masked %broadcast_in_dim3A_705 : vector<16xi32>, vector<16xi1> -> vector<16xi32>
    %sub3A_707 = arith.subi %masked_cumsum3A_706, %select_n3A_703 : vector<16xi32>
    %add3A_708 = arith.addi %sub3A_707, %add3A_698 : vector<16xi32>
    %lt3A_709 = arith.cmpi slt, %add3A_708, %sub3A_681 : vector<16xi32>
    %and3A_710 = arith.andi %eq3A_702, %lt3A_709 : vector<16xi1>
    %or3A_711 = arith.ori %lt3A_701, %and3A_710 : vector<16xi1>
    %select_n3A_712 = arith.select %or3A_711, %broadcast_in_dim3A_13, %broadcast_in_dim3A_11 : vector<16xi1>, vector<16xf32>
    %add3A_713 = arith.addf %add3A_446, %select_n3A_712 : vector<16xf32>
    %all_reduce_population_count3A_714 = tpu.all_reduce %eq3A_702 {dim = 0 : i64, kind = #tpu.reduction_kind<sum>} : vector<16xi1> -> vector<16xi32>
    %add3A_715 = arith.addi %add3A_698, %all_reduce_population_count3A_714 : vector<16xi32>
    %get3A_716 = arith.constant 32 : index
    %get3A_717 = tpu.vector_load %arg5[%get3A_716] {strides = array<i32>} : memref<128xi32, #tpu.memory_space<vmem>>, vector<16xi32>,
    %lt3A_718 = arith.cmpi slt, %get3A_717, %scan3A_639#1 : vector<16xi32>
    %eq3A_719 = arith.cmpi eq, %get3A_717, %scan3A_639#1 : vector<16xi32>
    %select_n3A_720 = arith.select %eq3A_719, %broadcast_in_dim3A_5, %broadcast_in_dim3A_3 : vector<16xi1>, vector<16xi32>
    %broadcast_in_dim3A_721 = arith.constant true
    %broadcast_in_dim3A_722 = vector.broadcast %broadcast_in_dim3A_721 : i1 to vector<16xi1>
    %masked_cumsum3A_723 = tpu.scan <sum>, %select_n3A_720 masked %broadcast_in_dim3A_722 : vector<16xi32>, vector<16xi1> -> vector<16xi32>
    %sub3A_724 = arith.subi %masked_cumsum3A_723, %select_n3A_720 : vector<16xi32>
    %add3A_725 = arith.addi %sub3A_724, %add3A_715 : vector<16xi32>
    %lt3A_726 = arith.cmpi slt, %add3A_725, %sub3A_681 : vector<16xi32>
    %and3A_727 = arith.andi %eq3A_719, %lt3A_726 : vector<16xi1>
    %or3A_728 = arith.ori %lt3A_718, %and3A_727 : vector<16xi1>
    %select_n3A_729 = arith.select %or3A_728, %broadcast_in_dim3A_13, %broadcast_in_dim3A_11 : vector<16xi1>, vector<16xf32>
    %add3A_730 = arith.addf %add3A_463, %select_n3A_729 : vector<16xf32>
    %all_reduce_population_count3A_731 = tpu.all_reduce %eq3A_719 {dim = 0 : i64, kind = #tpu.reduction_kind<sum>} : vector<16xi1> -> vector<16xi32>
    %add3A_732 = arith.addi %add3A_715, %all_reduce_population_count3A_731 : vector<16xi32>
    %get3A_733 = arith.constant 48 : index
    %get3A_734 = tpu.vector_load %arg5[%get3A_733] {strides = array<i32>} : memref<128xi32, #tpu.memory_space<vmem>>, vector<16xi32>,
    %lt3A_735 = arith.cmpi slt, %get3A_734, %scan3A_639#1 : vector<16xi32>
    %eq3A_736 = arith.cmpi eq, %get3A_734, %scan3A_639#1 : vector<16xi32>
    %select_n3A_737 = arith.select %eq3A_736, %broadcast_in_dim3A_5, %broadcast_in_dim3A_3 : vector<16xi1>, vector<16xi32>
    %broadcast_in_dim3A_738 = arith.constant true
    %broadcast_in_dim3A_739 = vector.broadcast %broadcast_in_dim3A_738 : i1 to vector<16xi1>
    %masked_cumsum3A_740 = tpu.scan <sum>, %select_n3A_737 masked %broadcast_in_dim3A_739 : vector<16xi32>, vector<16xi1> -> vector<16xi32>
    %sub3A_741 = arith.subi %masked_cumsum3A_740, %select_n3A_737 : vector<16xi32>
    %add3A_742 = arith.addi %sub3A_741, %add3A_732 : vector<16xi32>
    %lt3A_743 = arith.cmpi slt, %add3A_742, %sub3A_681 : vector<16xi32>
    %and3A_744 = arith.andi %eq3A_736, %lt3A_743 : vector<16xi1>
    %or3A_745 = arith.ori %lt3A_735, %and3A_744 : vector<16xi1>
    %select_n3A_746 = arith.select %or3A_745, %broadcast_in_dim3A_13, %broadcast_in_dim3A_11 : vector<16xi1>, vector<16xf32>
    %add3A_747 = arith.addf %add3A_480, %select_n3A_746 : vector<16xf32>
    %all_reduce_population_count3A_748 = tpu.all_reduce %eq3A_736 {dim = 0 : i64, kind = #tpu.reduction_kind<sum>} : vector<16xi1> -> vector<16xi32>
    %add3A_749 = arith.addi %add3A_732, %all_reduce_population_count3A_748 : vector<16xi32>
    %get3A_750 = arith.constant 64 : index
    %get3A_751 = tpu.vector_load %arg5[%get3A_750] {strides = array<i32>} : memref<128xi32, #tpu.memory_space<vmem>>, vector<16xi32>,
    %lt3A_752 = arith.cmpi slt, %get3A_751, %scan3A_639#1 : vector<16xi32>
    %eq3A_753 = arith.cmpi eq, %get3A_751, %scan3A_639#1 : vector<16xi32>
    %select_n3A_754 = arith.select %eq3A_753, %broadcast_in_dim3A_5, %broadcast_in_dim3A_3 : vector<16xi1>, vector<16xi32>
    %broadcast_in_dim3A_755 = arith.constant true
    %broadcast_in_dim3A_756 = vector.broadcast %broadcast_in_dim3A_755 : i1 to vector<16xi1>
    %masked_cumsum3A_757 = tpu.scan <sum>, %select_n3A_754 masked %broadcast_in_dim3A_756 : vector<16xi32>, vector<16xi1> -> vector<16xi32>
    %sub3A_758 = arith.subi %masked_cumsum3A_757, %select_n3A_754 : vector<16xi32>
    %add3A_759 = arith.addi %sub3A_758, %add3A_749 : vector<16xi32>
    %lt3A_760 = arith.cmpi slt, %add3A_759, %sub3A_681 : vector<16xi32>
    %and3A_761 = arith.andi %eq3A_753, %lt3A_760 : vector<16xi1>
    %or3A_762 = arith.ori %lt3A_752, %and3A_761 : vector<16xi1>
    %select_n3A_763 = arith.select %or3A_762, %broadcast_in_dim3A_13, %broadcast_in_dim3A_11 : vector<16xi1>, vector<16xf32>
    %add3A_764 = arith.addf %add3A_497, %select_n3A_763 : vector<16xf32>
    %all_reduce_population_count3A_765 = tpu.all_reduce %eq3A_753 {dim = 0 : i64, kind = #tpu.reduction_kind<sum>} : vector<16xi1> -> vector<16xi32>
    %add3A_766 = arith.addi %add3A_749, %all_reduce_population_count3A_765 : vector<16xi32>
    %get3A_767 = arith.constant 80 : index
    %get3A_768 = tpu.vector_load %arg5[%get3A_767] {strides = array<i32>} : memref<128xi32, #tpu.memory_space<vmem>>, vector<16xi32>,
    %lt3A_769 = arith.cmpi slt, %get3A_768, %scan3A_639#1 : vector<16xi32>
    %eq3A_770 = arith.cmpi eq, %get3A_768, %scan3A_639#1 : vector<16xi32>
    %select_n3A_771 = arith.select %eq3A_770, %broadcast_in_dim3A_5, %broadcast_in_dim3A_3 : vector<16xi1>, vector<16xi32>
    %broadcast_in_dim3A_772 = arith.constant true
    %broadcast_in_dim3A_773 = vector.broadcast %broadcast_in_dim3A_772 : i1 to vector<16xi1>
    %masked_cumsum3A_774 = tpu.scan <sum>, %select_n3A_771 masked %broadcast_in_dim3A_773 : vector<16xi32>, vector<16xi1> -> vector<16xi32>
    %sub3A_775 = arith.subi %masked_cumsum3A_774, %select_n3A_771 : vector<16xi32>
    %add3A_776 = arith.addi %sub3A_775, %add3A_766 : vector<16xi32>
    %lt3A_777 = arith.cmpi slt, %add3A_776, %sub3A_681 : vector<16xi32>
    %and3A_778 = arith.andi %eq3A_770, %lt3A_777 : vector<16xi1>
    %or3A_779 = arith.ori %lt3A_769, %and3A_778 : vector<16xi1>
    %select_n3A_780 = arith.select %or3A_779, %broadcast_in_dim3A_13, %broadcast_in_dim3A_11 : vector<16xi1>, vector<16xf32>
    %add3A_781 = arith.addf %add3A_514, %select_n3A_780 : vector<16xf32>
    %all_reduce_population_count3A_782 = tpu.all_reduce %eq3A_770 {dim = 0 : i64, kind = #tpu.reduction_kind<sum>} : vector<16xi1> -> vector<16xi32>
    %add3A_783 = arith.addi %add3A_766, %all_reduce_population_count3A_782 : vector<16xi32>
    %get3A_784 = arith.constant 96 : index
    %get3A_785 = tpu.vector_load %arg5[%get3A_784] {strides = array<i32>} : memref<128xi32, #tpu.memory_space<vmem>>, vector<16xi32>,
    %lt3A_786 = arith.cmpi slt, %get3A_785, %scan3A_639#1 : vector<16xi32>
    %eq3A_787 = arith.cmpi eq, %get3A_785, %scan3A_639#1 : vector<16xi32>
    %select_n3A_788 = arith.select %eq3A_787, %broadcast_in_dim3A_5, %broadcast_in_dim3A_3 : vector<16xi1>, vector<16xi32>
    %broadcast_in_dim3A_789 = arith.constant true
    %broadcast_in_dim3A_790 = vector.broadcast %broadcast_in_dim3A_789 : i1 to vector<16xi1>
    %masked_cumsum3A_791 = tpu.scan <sum>, %select_n3A_788 masked %broadcast_in_dim3A_790 : vector<16xi32>, vector<16xi1> -> vector<16xi32>
    %sub3A_792 = arith.subi %masked_cumsum3A_791, %select_n3A_788 : vector<16xi32>
    %add3A_793 = arith.addi %sub3A_792, %add3A_783 : vector<16xi32>
    %lt3A_794 = arith.cmpi slt, %add3A_793, %sub3A_681 : vector<16xi32>
    %and3A_795 = arith.andi %eq3A_787, %lt3A_794 : vector<16xi1>
    %or3A_796 = arith.ori %lt3A_786, %and3A_795 : vector<16xi1>
    %select_n3A_797 = arith.select %or3A_796, %broadcast_in_dim3A_13, %broadcast_in_dim3A_11 : vector<16xi1>, vector<16xf32>
    %add3A_798 = arith.addf %add3A_531, %select_n3A_797 : vector<16xf32>
    %all_reduce_population_count3A_799 = tpu.all_reduce %eq3A_787 {dim = 0 : i64, kind = #tpu.reduction_kind<sum>} : vector<16xi1> -> vector<16xi32>
    %add3A_800 = arith.addi %add3A_783, %all_reduce_population_count3A_799 : vector<16xi32>
    %get3A_801 = arith.constant 112 : index
    %get3A_802 = tpu.vector_load %arg5[%get3A_801] {strides = array<i32>} : memref<128xi32, #tpu.memory_space<vmem>>, vector<16xi32>,
    %lt3A_803 = arith.cmpi slt, %get3A_802, %scan3A_639#1 : vector<16xi32>
    %eq3A_804 = arith.cmpi eq, %get3A_802, %scan3A_639#1 : vector<16xi32>
    %select_n3A_805 = arith.select %eq3A_804, %broadcast_in_dim3A_5, %broadcast_in_dim3A_3 : vector<16xi1>, vector<16xi32>
    %broadcast_in_dim3A_806 = arith.constant true
    %broadcast_in_dim3A_807 = vector.broadcast %broadcast_in_dim3A_806 : i1 to vector<16xi1>
    %masked_cumsum3A_808 = tpu.scan <sum>, %select_n3A_805 masked %broadcast_in_dim3A_807 : vector<16xi32>, vector<16xi1> -> vector<16xi32>
    %sub3A_809 = arith.subi %masked_cumsum3A_808, %select_n3A_805 : vector<16xi32>
    %add3A_810 = arith.addi %sub3A_809, %add3A_800 : vector<16xi32>
    %lt3A_811 = arith.cmpi slt, %add3A_810, %sub3A_681 : vector<16xi32>
    %and3A_812 = arith.andi %eq3A_804, %lt3A_811 : vector<16xi1>
    %or3A_813 = arith.ori %lt3A_803, %and3A_812 : vector<16xi1>
    %select_n3A_814 = arith.select %or3A_813, %broadcast_in_dim3A_13, %broadcast_in_dim3A_11 : vector<16xi1>, vector<16xf32>
    %add3A_815 = arith.addf %add3A_548, %select_n3A_814 : vector<16xf32>
    %all_reduce_population_count3A_816 = tpu.all_reduce %eq3A_804 {dim = 0 : i64, kind = #tpu.reduction_kind<sum>} : vector<16xi1> -> vector<16xi32>
    %add3A_817 = arith.addi %add3A_800, %all_reduce_population_count3A_816 : vector<16xi32>
    %get3A_818 = arith.constant 3 : i32
    %get3A_819 = arith.index_cast %get3A_818 : i32 to index
    %get3A_820 = arith.constant 0 : index
    %get3A_821 = tpu.vector_load %arg4[%get3A_819, %get3A_820] {strides = array<i32>} : memref<4x128xf32, #tpu.memory_space<vmem>>, vector<16xf32>,
    %bitcast3A_822 = vector.bitcast %get3A_821 : vector<16xf32> to vector<16xi32>
    %lt3A_823 = arith.cmpi slt, %bitcast3A_822, %broadcast_in_dim3A_3 : vector<16xi32>
    %xor3A_824 = arith.xori %bitcast3A_822, %broadcast_in_dim3A_9 : vector<16xi32>
    %select_n3A_825 = arith.select %lt3A_823, %xor3A_824, %bitcast3A_822 : vector<16xi1>, vector<16xi32>
    %swap3A_826 = arith.constant 0 : index
    %swap3A_827 = tpu.vector_load %arg5[%swap3A_826] {strides = array<i32>} : memref<128xi32, #tpu.memory_space<vmem>>, vector<16xi32>,
    tpu.vector_store %arg5[%swap3A_826], %select_n3A_825 {strides = array<i32>} : memref<128xi32, #tpu.memory_space<vmem>>, vector<16xi32>,
    %get3A_828 = arith.constant 3 : i32
    %get3A_829 = arith.index_cast %get3A_828 : i32 to index
    %get3A_830 = arith.constant 16 : index
    %get3A_831 = tpu.vector_load %arg4[%get3A_829, %get3A_830] {strides = array<i32>} : memref<4x128xf32, #tpu.memory_space<vmem>>, vector<16xf32>,
    %bitcast3A_832 = vector.bitcast %get3A_831 : vector<16xf32> to vector<16xi32>
    %lt3A_833 = arith.cmpi slt, %bitcast3A_832, %broadcast_in_dim3A_3 : vector<16xi32>
    %xor3A_834 = arith.xori %bitcast3A_832, %broadcast_in_dim3A_9 : vector<16xi32>
    %select_n3A_835 = arith.select %lt3A_833, %xor3A_834, %bitcast3A_832 : vector<16xi1>, vector<16xi32>
    %swap3A_836 = arith.constant 16 : index
    %swap3A_837 = tpu.vector_load %arg5[%swap3A_836] {strides = array<i32>} : memref<128xi32, #tpu.memory_space<vmem>>, vector<16xi32>,
    tpu.vector_store %arg5[%swap3A_836], %select_n3A_835 {strides = array<i32>} : memref<128xi32, #tpu.memory_space<vmem>>, vector<16xi32>,
    %get3A_838 = arith.constant 3 : i32
    %get3A_839 = arith.index_cast %get3A_838 : i32 to index
    %get3A_840 = arith.constant 32 : index
    %get3A_841 = tpu.vector_load %arg4[%get3A_839, %get3A_840] {strides = array<i32>} : memref<4x128xf32, #tpu.memory_space<vmem>>, vector<16xf32>,
    %bitcast3A_842 = vector.bitcast %get3A_841 : vector<16xf32> to vector<16xi32>
    %lt3A_843 = arith.cmpi slt, %bitcast3A_842, %broadcast_in_dim3A_3 : vector<16xi32>
    %xor3A_844 = arith.xori %bitcast3A_842, %broadcast_in_dim3A_9 : vector<16xi32>
    %select_n3A_845 = arith.select %lt3A_843, %xor3A_844, %bitcast3A_842 : vector<16xi1>, vector<16xi32>
    %swap3A_846 = arith.constant 32 : index
    %swap3A_847 = tpu.vector_load %arg5[%swap3A_846] {strides = array<i32>} : memref<128xi32, #tpu.memory_space<vmem>>, vector<16xi32>,
    tpu.vector_store %arg5[%swap3A_846], %select_n3A_845 {strides = array<i32>} : memref<128xi32, #tpu.memory_space<vmem>>, vector<16xi32>,
    %get3A_848 = arith.constant 3 : i32
    %get3A_849 = arith.index_cast %get3A_848 : i32 to index
    %get3A_850 = arith.constant 48 : index
    %get3A_851 = tpu.vector_load %arg4[%get3A_849, %get3A_850] {strides = array<i32>} : memref<4x128xf32, #tpu.memory_space<vmem>>, vector<16xf32>,
    %bitcast3A_852 = vector.bitcast %get3A_851 : vector<16xf32> to vector<16xi32>
    %lt3A_853 = arith.cmpi slt, %bitcast3A_852, %broadcast_in_dim3A_3 : vector<16xi32>
    %xor3A_854 = arith.xori %bitcast3A_852, %broadcast_in_dim3A_9 : vector<16xi32>
    %select_n3A_855 = arith.select %lt3A_853, %xor3A_854, %bitcast3A_852 : vector<16xi1>, vector<16xi32>
    %swap3A_856 = arith.constant 48 : index
    %swap3A_857 = tpu.vector_load %arg5[%swap3A_856] {strides = array<i32>} : memref<128xi32, #tpu.memory_space<vmem>>, vector<16xi32>,
    tpu.vector_store %arg5[%swap3A_856], %select_n3A_855 {strides = array<i32>} : memref<128xi32, #tpu.memory_space<vmem>>, vector<16xi32>,
    %get3A_858 = arith.constant 3 : i32
    %get3A_859 = arith.index_cast %get3A_858 : i32 to index
    %get3A_860 = arith.constant 64 : index
    %get3A_861 = tpu.vector_load %arg4[%get3A_859, %get3A_860] {strides = array<i32>} : memref<4x128xf32, #tpu.memory_space<vmem>>, vector<16xf32>,
    %bitcast3A_862 = vector.bitcast %get3A_861 : vector<16xf32> to vector<16xi32>
    %lt3A_863 = arith.cmpi slt, %bitcast3A_862, %broadcast_in_dim3A_3 : vector<16xi32>
    %xor3A_864 = arith.xori %bitcast3A_862, %broadcast_in_dim3A_9 : vector<16xi32>
    %select_n3A_865 = arith.select %lt3A_863, %xor3A_864, %bitcast3A_862 : vector<16xi1>, vector<16xi32>
    %swap3A_866 = arith.constant 64 : index
    %swap3A_867 = tpu.vector_load %arg5[%swap3A_866] {strides = array<i32>} : memref<128xi32, #tpu.memory_space<vmem>>, vector<16xi32>,
    tpu.vector_store %arg5[%swap3A_866], %select_n3A_865 {strides = array<i32>} : memref<128xi32, #tpu.memory_space<vmem>>, vector<16xi32>,
    %get3A_868 = arith.constant 3 : i32
    %get3A_869 = arith.index_cast %get3A_868 : i32 to index
    %get3A_870 = arith.constant 80 : index
    %get3A_871 = tpu.vector_load %arg4[%get3A_869, %get3A_870] {strides = array<i32>} : memref<4x128xf32, #tpu.memory_space<vmem>>, vector<16xf32>,
    %bitcast3A_872 = vector.bitcast %get3A_871 : vector<16xf32> to vector<16xi32>
    %lt3A_873 = arith.cmpi slt, %bitcast3A_872, %broadcast_in_dim3A_3 : vector<16xi32>
    %xor3A_874 = arith.xori %bitcast3A_872, %broadcast_in_dim3A_9 : vector<16xi32>
    %select_n3A_875 = arith.select %lt3A_873, %xor3A_874, %bitcast3A_872 : vector<16xi1>, vector<16xi32>
    %swap3A_876 = arith.constant 80 : index
    %swap3A_877 = tpu.vector_load %arg5[%swap3A_876] {strides = array<i32>} : memref<128xi32, #tpu.memory_space<vmem>>, vector<16xi32>,
    tpu.vector_store %arg5[%swap3A_876], %select_n3A_875 {strides = array<i32>} : memref<128xi32, #tpu.memory_space<vmem>>, vector<16xi32>,
    %get3A_878 = arith.constant 3 : i32
    %get3A_879 = arith.index_cast %get3A_878 : i32 to index
    %get3A_880 = arith.constant 96 : index
    %get3A_881 = tpu.vector_load %arg4[%get3A_879, %get3A_880] {strides = array<i32>} : memref<4x128xf32, #tpu.memory_space<vmem>>, vector<16xf32>,
    %bitcast3A_882 = vector.bitcast %get3A_881 : vector<16xf32> to vector<16xi32>
    %lt3A_883 = arith.cmpi slt, %bitcast3A_882, %broadcast_in_dim3A_3 : vector<16xi32>
    %xor3A_884 = arith.xori %bitcast3A_882, %broadcast_in_dim3A_9 : vector<16xi32>
    %select_n3A_885 = arith.select %lt3A_883, %xor3A_884, %bitcast3A_882 : vector<16xi1>, vector<16xi32>
    %swap3A_886 = arith.constant 96 : index
    %swap3A_887 = tpu.vector_load %arg5[%swap3A_886] {strides = array<i32>} : memref<128xi32, #tpu.memory_space<vmem>>, vector<16xi32>,
    tpu.vector_store %arg5[%swap3A_886], %select_n3A_885 {strides = array<i32>} : memref<128xi32, #tpu.memory_space<vmem>>, vector<16xi32>,
    %get3A_888 = arith.constant 3 : i32
    %get3A_889 = arith.index_cast %get3A_888 : i32 to index
    %get3A_890 = arith.constant 112 : index
    %get3A_891 = tpu.vector_load %arg4[%get3A_889, %get3A_890] {strides = array<i32>} : memref<4x128xf32, #tpu.memory_space<vmem>>, vector<16xf32>,
    %bitcast3A_892 = vector.bitcast %get3A_891 : vector<16xf32> to vector<16xi32>
    %lt3A_893 = arith.cmpi slt, %bitcast3A_892, %broadcast_in_dim3A_3 : vector<16xi32>
    %xor3A_894 = arith.xori %bitcast3A_892, %broadcast_in_dim3A_9 : vector<16xi32>
    %select_n3A_895 = arith.select %lt3A_893, %xor3A_894, %bitcast3A_892 : vector<16xi1>, vector<16xi32>
    %swap3A_896 = arith.constant 112 : index
    %swap3A_897 = tpu.vector_load %arg5[%swap3A_896] {strides = array<i32>} : memref<128xi32, #tpu.memory_space<vmem>>, vector<16xi32>,
    tpu.vector_store %arg5[%swap3A_896], %select_n3A_895 {strides = array<i32>} : memref<128xi32, #tpu.memory_space<vmem>>, vector<16xi32>,
    %broadcast_in_dim3A_898 = arith.constant -2147483648 : i32
    %broadcast_in_dim3A_899 = vector.broadcast %broadcast_in_dim3A_898 : i32 to vector<16xi32>
    %broadcast_in_dim3A_900 = arith.constant 2147483647 : i32
    %broadcast_in_dim3A_901 = vector.broadcast %broadcast_in_dim3A_900 : i32 to vector<16xi32>
    %scan3A_902 = arith.constant 0 : i32
    %scan3A_903 = arith.constant 34 : i32
    %scan3A_904 = arith.addi %scan3A_902, %scan3A_903 : i32
    %scan3A_905 = arith.constant 1 : i32
    %scan3A_906:2 = scf.for %scan3A_1101 = %scan3A_902 to %scan3A_904 step %scan3A_905 iter_args(%scan3A_1102 = %broadcast_in_dim3A_899, %scan3A_1103 = %broadcast_in_dim3A_901) -> (vector<16xi32>, vector<16xi32>)  : i32 {
      %shift_right_arithmetic3A = arith.constant 1 : i32
      %shift_right_arithmetic3A_1104 = vector.broadcast %shift_right_arithmetic3A : i32 to vector<16xi32>
      %shift_right_arithmetic3A_1105 = arith.shrsi %scan3A_1102, %shift_right_arithmetic3A_1104 : vector<16xi32>
      %shift_right_arithmetic3A_1106 = arith.constant 1 : i32
      %shift_right_arithmetic3A_1107 = vector.broadcast %shift_right_arithmetic3A_1106 : i32 to vector<16xi32>
      %shift_right_arithmetic3A_1108 = arith.shrsi %scan3A_1103, %shift_right_arithmetic3A_1107 : vector<16xi32>
      %add3A_1109 = arith.addi %shift_right_arithmetic3A_1105, %shift_right_arithmetic3A_1108 : vector<16xi32>
      %and3A_1110 = arith.andi %scan3A_1102, %scan3A_1103 : vector<16xi32>
      %and3A_1111 = arith.andi %and3A_1110, %broadcast_in_dim3A_5 : vector<16xi32>
      %add3A_1112 = arith.addi %add3A_1109, %and3A_1111 : vector<16xi32>
      %get3A_1113 = arith.constant 0 : index
      %get3A_1114 = tpu.vector_load %arg5[%get3A_1113] {strides = array<i32>} : memref<128xi32, #tpu.memory_space<vmem>>, vector<16xi32>,
      %le3A = arith.cmpi sle, %get3A_1114, %add3A_1112 : vector<16xi32>
      %all_reduce_population_count3A_1115 = tpu.all_reduce %le3A {dim = 0 : i64, kind = #tpu.reduction_kind<sum>} : vector<16xi1> -> vector<16xi32>
      %add3A_1116 = arith.addi %broadcast_in_dim3A_3, %all_reduce_population_count3A_1115 : vector<16xi32>
      %get3A_1117 = arith.constant 16 : index
      %get3A_1118 = tpu.vector_load %arg5[%get3A_1117] {strides = array<i32>} : memref<128xi32, #tpu.memory_space<vmem>>, vector<16xi32>,
      %le3A_1119 = arith.cmpi sle, %get3A_1118, %add3A_1112 : vector<16xi32>
      %all_reduce_population_count3A_1120 = tpu.all_reduce %le3A_1119 {dim = 0 : i64, kind = #tpu.reduction_kind<sum>} : vector<16xi1> -> vector<16xi32>
      %add3A_1121 = arith.addi %add3A_1116, %all_reduce_population_count3A_1120 : vector<16xi32>
      %get3A_1122 = arith.constant 32 : index
      %get3A_1123 = tpu.vector_load %arg5[%get3A_1122] {strides = array<i32>} : memref<128xi32, #tpu.memory_space<vmem>>, vector<16xi32>,
      %le3A_1124 = arith.cmpi sle, %get3A_1123, %add3A_1112 : vector<16xi32>
      %all_reduce_population_count3A_1125 = tpu.all_reduce %le3A_1124 {dim = 0 : i64, kind = #tpu.reduction_kind<sum>} : vector<16xi1> -> vector<16xi32>
      %add3A_1126 = arith.addi %add3A_1121, %all_reduce_population_count3A_1125 : vector<16xi32>
      %get3A_1127 = arith.constant 48 : index
      %get3A_1128 = tpu.vector_load %arg5[%get3A_1127] {strides = array<i32>} : memref<128xi32, #tpu.memory_space<vmem>>, vector<16xi32>,
      %le3A_1129 = arith.cmpi sle, %get3A_1128, %add3A_1112 : vector<16xi32>
      %all_reduce_population_count3A_1130 = tpu.all_reduce %le3A_1129 {dim = 0 : i64, kind = #tpu.reduction_kind<sum>} : vector<16xi1> -> vector<16xi32>
      %add3A_1131 = arith.addi %add3A_1126, %all_reduce_population_count3A_1130 : vector<16xi32>
      %get3A_1132 = arith.constant 64 : index
      %get3A_1133 = tpu.vector_load %arg5[%get3A_1132] {strides = array<i32>} : memref<128xi32, #tpu.memory_space<vmem>>, vector<16xi32>,
      %le3A_1134 = arith.cmpi sle, %get3A_1133, %add3A_1112 : vector<16xi32>
      %all_reduce_population_count3A_1135 = tpu.all_reduce %le3A_1134 {dim = 0 : i64, kind = #tpu.reduction_kind<sum>} : vector<16xi1> -> vector<16xi32>
      %add3A_1136 = arith.addi %add3A_1131, %all_reduce_population_count3A_1135 : vector<16xi32>
      %get3A_1137 = arith.constant 80 : index
      %get3A_1138 = tpu.vector_load %arg5[%get3A_1137] {strides = array<i32>} : memref<128xi32, #tpu.memory_space<vmem>>, vector<16xi32>,
      %le3A_1139 = arith.cmpi sle, %get3A_1138, %add3A_1112 : vector<16xi32>
      %all_reduce_population_count3A_1140 = tpu.all_reduce %le3A_1139 {dim = 0 : i64, kind = #tpu.reduction_kind<sum>} : vector<16xi1> -> vector<16xi32>
      %add3A_1141 = arith.addi %add3A_1136, %all_reduce_population_count3A_1140 : vector<16xi32>
      %get3A_1142 = arith.constant 96 : index
      %get3A_1143 = tpu.vector_load %arg5[%get3A_1142] {strides = array<i32>} : memref<128xi32, #tpu.memory_space<vmem>>, vector<16xi32>,
      %le3A_1144 = arith.cmpi sle, %get3A_1143, %add3A_1112 : vector<16xi32>
      %all_reduce_population_count3A_1145 = tpu.all_reduce %le3A_1144 {dim = 0 : i64, kind = #tpu.reduction_kind<sum>} : vector<16xi1> -> vector<16xi32>
      %add3A_1146 = arith.addi %add3A_1141, %all_reduce_population_count3A_1145 : vector<16xi32>
      %get3A_1147 = arith.constant 112 : index
      %get3A_1148 = tpu.vector_load %arg5[%get3A_1147] {strides = array<i32>} : memref<128xi32, #tpu.memory_space<vmem>>, vector<16xi32>,
      %le3A_1149 = arith.cmpi sle, %get3A_1148, %add3A_1112 : vector<16xi32>
      %all_reduce_population_count3A_1150 = tpu.all_reduce %le3A_1149 {dim = 0 : i64, kind = #tpu.reduction_kind<sum>} : vector<16xi1> -> vector<16xi32>
      %add3A_1151 = arith.addi %add3A_1146, %all_reduce_population_count3A_1150 : vector<16xi32>
      %ge3A = arith.cmpi sge, %add3A_1151, %broadcast_in_dim3A_7 : vector<16xi32>
      %select_n3A_1152 = arith.select %ge3A, %scan3A_1102, %add3A_1112 : vector<16xi1>, vector<16xi32>
      %select_n3A_1153 = arith.select %ge3A, %add3A_1112, %scan3A_1103 : vector<16xi1>, vector<16xi32>
      scf.yield %select_n3A_1152, %select_n3A_1153 : vector<16xi32>, vector<16xi32>
    }
    %scan3A_907 = arith.constant 34 : i32
    %get3A_908 = arith.constant 0 : index
    %get3A_909 = tpu.vector_load %arg5[%get3A_908] {strides = array<i32>} : memref<128xi32, #tpu.memory_space<vmem>>, vector<16xi32>,
    %lt3A_910 = arith.cmpi slt, %get3A_909, %scan3A_906#1 : vector<16xi32>
    %all_reduce_population_count3A_911 = tpu.all_reduce %lt3A_910 {dim = 0 : i64, kind = #tpu.reduction_kind<sum>} : vector<16xi1> -> vector<16xi32>
    %add3A_912 = arith.addi %broadcast_in_dim3A_3, %all_reduce_population_count3A_911 : vector<16xi32>
    %get3A_913 = arith.constant 16 : index
    %get3A_914 = tpu.vector_load %arg5[%get3A_913] {strides = array<i32>} : memref<128xi32, #tpu.memory_space<vmem>>, vector<16xi32>,
    %lt3A_915 = arith.cmpi slt, %get3A_914, %scan3A_906#1 : vector<16xi32>
    %all_reduce_population_count3A_916 = tpu.all_reduce %lt3A_915 {dim = 0 : i64, kind = #tpu.reduction_kind<sum>} : vector<16xi1> -> vector<16xi32>
    %add3A_917 = arith.addi %add3A_912, %all_reduce_population_count3A_916 : vector<16xi32>
    %get3A_918 = arith.constant 32 : index
    %get3A_919 = tpu.vector_load %arg5[%get3A_918] {strides = array<i32>} : memref<128xi32, #tpu.memory_space<vmem>>, vector<16xi32>,
    %lt3A_920 = arith.cmpi slt, %get3A_919, %scan3A_906#1 : vector<16xi32>
    %all_reduce_population_count3A_921 = tpu.all_reduce %lt3A_920 {dim = 0 : i64, kind = #tpu.reduction_kind<sum>} : vector<16xi1> -> vector<16xi32>
    %add3A_922 = arith.addi %add3A_917, %all_reduce_population_count3A_921 : vector<16xi32>
    %get3A_923 = arith.constant 48 : index
    %get3A_924 = tpu.vector_load %arg5[%get3A_923] {strides = array<i32>} : memref<128xi32, #tpu.memory_space<vmem>>, vector<16xi32>,
    %lt3A_925 = arith.cmpi slt, %get3A_924, %scan3A_906#1 : vector<16xi32>
    %all_reduce_population_count3A_926 = tpu.all_reduce %lt3A_925 {dim = 0 : i64, kind = #tpu.reduction_kind<sum>} : vector<16xi1> -> vector<16xi32>
    %add3A_927 = arith.addi %add3A_922, %all_reduce_population_count3A_926 : vector<16xi32>
    %get3A_928 = arith.constant 64 : index
    %get3A_929 = tpu.vector_load %arg5[%get3A_928] {strides = array<i32>} : memref<128xi32, #tpu.memory_space<vmem>>, vector<16xi32>,
    %lt3A_930 = arith.cmpi slt, %get3A_929, %scan3A_906#1 : vector<16xi32>
    %all_reduce_population_count3A_931 = tpu.all_reduce %lt3A_930 {dim = 0 : i64, kind = #tpu.reduction_kind<sum>} : vector<16xi1> -> vector<16xi32>
    %add3A_932 = arith.addi %add3A_927, %all_reduce_population_count3A_931 : vector<16xi32>
    %get3A_933 = arith.constant 80 : index
    %get3A_934 = tpu.vector_load %arg5[%get3A_933] {strides = array<i32>} : memref<128xi32, #tpu.memory_space<vmem>>, vector<16xi32>,
    %lt3A_935 = arith.cmpi slt, %get3A_934, %scan3A_906#1 : vector<16xi32>
    %all_reduce_population_count3A_936 = tpu.all_reduce %lt3A_935 {dim = 0 : i64, kind = #tpu.reduction_kind<sum>} : vector<16xi1> -> vector<16xi32>
    %add3A_937 = arith.addi %add3A_932, %all_reduce_population_count3A_936 : vector<16xi32>
    %get3A_938 = arith.constant 96 : index
    %get3A_939 = tpu.vector_load %arg5[%get3A_938] {strides = array<i32>} : memref<128xi32, #tpu.memory_space<vmem>>, vector<16xi32>,
    %lt3A_940 = arith.cmpi slt, %get3A_939, %scan3A_906#1 : vector<16xi32>
    %all_reduce_population_count3A_941 = tpu.all_reduce %lt3A_940 {dim = 0 : i64, kind = #tpu.reduction_kind<sum>} : vector<16xi1> -> vector<16xi32>
    %add3A_942 = arith.addi %add3A_937, %all_reduce_population_count3A_941 : vector<16xi32>
    %get3A_943 = arith.constant 112 : index
    %get3A_944 = tpu.vector_load %arg5[%get3A_943] {strides = array<i32>} : memref<128xi32, #tpu.memory_space<vmem>>, vector<16xi32>,
    %lt3A_945 = arith.cmpi slt, %get3A_944, %scan3A_906#1 : vector<16xi32>
    %all_reduce_population_count3A_946 = tpu.all_reduce %lt3A_945 {dim = 0 : i64, kind = #tpu.reduction_kind<sum>} : vector<16xi1> -> vector<16xi32>
    %add3A_947 = arith.addi %add3A_942, %all_reduce_population_count3A_946 : vector<16xi32>
    %sub3A_948 = arith.subi %broadcast_in_dim3A_7, %add3A_947 : vector<16xi32>
    %get3A_949 = arith.constant 0 : index
    %get3A_950 = tpu.vector_load %arg5[%get3A_949] {strides = array<i32>} : memref<128xi32, #tpu.memory_space<vmem>>, vector<16xi32>,
    %lt3A_951 = arith.cmpi slt, %get3A_950, %scan3A_906#1 : vector<16xi32>
    %eq3A_952 = arith.cmpi eq, %get3A_950, %scan3A_906#1 : vector<16xi32>
    %select_n3A_953 = arith.select %eq3A_952, %broadcast_in_dim3A_5, %broadcast_in_dim3A_3 : vector<16xi1>, vector<16xi32>
    %broadcast_in_dim3A_954 = arith.constant true
    %broadcast_in_dim3A_955 = vector.broadcast %broadcast_in_dim3A_954 : i1 to vector<16xi1>
    %masked_cumsum3A_956 = tpu.scan <sum>, %select_n3A_953 masked %broadcast_in_dim3A_955 : vector<16xi32>, vector<16xi1> -> vector<16xi32>
    %sub3A_957 = arith.subi %masked_cumsum3A_956, %select_n3A_953 : vector<16xi32>
    %add3A_958 = arith.addi %sub3A_957, %broadcast_in_dim3A_3 : vector<16xi32>
    %lt3A_959 = arith.cmpi slt, %add3A_958, %sub3A_948 : vector<16xi32>
    %and3A_960 = arith.andi %eq3A_952, %lt3A_959 : vector<16xi1>
    %or3A_961 = arith.ori %lt3A_951, %and3A_960 : vector<16xi1>
    %select_n3A_962 = arith.select %or3A_961, %broadcast_in_dim3A_13, %broadcast_in_dim3A_11 : vector<16xi1>, vector<16xf32>
    %add3A_963 = arith.addf %add3A_696, %select_n3A_962 : vector<16xf32>
    %all_reduce_population_count3A_964 = tpu.all_reduce %eq3A_952 {dim = 0 : i64, kind = #tpu.reduction_kind<sum>} : vector<16xi1> -> vector<16xi32>
    %add3A_965 = arith.addi %broadcast_in_dim3A_3, %all_reduce_population_count3A_964 : vector<16xi32>
    %get3A_966 = arith.constant 16 : index
    %get3A_967 = tpu.vector_load %arg5[%get3A_966] {strides = array<i32>} : memref<128xi32, #tpu.memory_space<vmem>>, vector<16xi32>,
    %lt3A_968 = arith.cmpi slt, %get3A_967, %scan3A_906#1 : vector<16xi32>
    %eq3A_969 = arith.cmpi eq, %get3A_967, %scan3A_906#1 : vector<16xi32>
    %select_n3A_970 = arith.select %eq3A_969, %broadcast_in_dim3A_5, %broadcast_in_dim3A_3 : vector<16xi1>, vector<16xi32>
    %broadcast_in_dim3A_971 = arith.constant true
    %broadcast_in_dim3A_972 = vector.broadcast %broadcast_in_dim3A_971 : i1 to vector<16xi1>
    %masked_cumsum3A_973 = tpu.scan <sum>, %select_n3A_970 masked %broadcast_in_dim3A_972 : vector<16xi32>, vector<16xi1> -> vector<16xi32>
    %sub3A_974 = arith.subi %masked_cumsum3A_973, %select_n3A_970 : vector<16xi32>
    %add3A_975 = arith.addi %sub3A_974, %add3A_965 : vector<16xi32>
    %lt3A_976 = arith.cmpi slt, %add3A_975, %sub3A_948 : vector<16xi32>
    %and3A_977 = arith.andi %eq3A_969, %lt3A_976 : vector<16xi1>
    %or3A_978 = arith.ori %lt3A_968, %and3A_977 : vector<16xi1>
    %select_n3A_979 = arith.select %or3A_978, %broadcast_in_dim3A_13, %broadcast_in_dim3A_11 : vector<16xi1>, vector<16xf32>
    %add3A_980 = arith.addf %add3A_713, %select_n3A_979 : vector<16xf32>
    %all_reduce_population_count3A_981 = tpu.all_reduce %eq3A_969 {dim = 0 : i64, kind = #tpu.reduction_kind<sum>} : vector<16xi1> -> vector<16xi32>
    %add3A_982 = arith.addi %add3A_965, %all_reduce_population_count3A_981 : vector<16xi32>
    %get3A_983 = arith.constant 32 : index
    %get3A_984 = tpu.vector_load %arg5[%get3A_983] {strides = array<i32>} : memref<128xi32, #tpu.memory_space<vmem>>, vector<16xi32>,
    %lt3A_985 = arith.cmpi slt, %get3A_984, %scan3A_906#1 : vector<16xi32>
    %eq3A_986 = arith.cmpi eq, %get3A_984, %scan3A_906#1 : vector<16xi32>
    %select_n3A_987 = arith.select %eq3A_986, %broadcast_in_dim3A_5, %broadcast_in_dim3A_3 : vector<16xi1>, vector<16xi32>
    %broadcast_in_dim3A_988 = arith.constant true
    %broadcast_in_dim3A_989 = vector.broadcast %broadcast_in_dim3A_988 : i1 to vector<16xi1>
    %masked_cumsum3A_990 = tpu.scan <sum>, %select_n3A_987 masked %broadcast_in_dim3A_989 : vector<16xi32>, vector<16xi1> -> vector<16xi32>
    %sub3A_991 = arith.subi %masked_cumsum3A_990, %select_n3A_987 : vector<16xi32>
    %add3A_992 = arith.addi %sub3A_991, %add3A_982 : vector<16xi32>
    %lt3A_993 = arith.cmpi slt, %add3A_992, %sub3A_948 : vector<16xi32>
    %and3A_994 = arith.andi %eq3A_986, %lt3A_993 : vector<16xi1>
    %or3A_995 = arith.ori %lt3A_985, %and3A_994 : vector<16xi1>
    %select_n3A_996 = arith.select %or3A_995, %broadcast_in_dim3A_13, %broadcast_in_dim3A_11 : vector<16xi1>, vector<16xf32>
    %add3A_997 = arith.addf %add3A_730, %select_n3A_996 : vector<16xf32>
    %all_reduce_population_count3A_998 = tpu.all_reduce %eq3A_986 {dim = 0 : i64, kind = #tpu.reduction_kind<sum>} : vector<16xi1> -> vector<16xi32>
    %add3A_999 = arith.addi %add3A_982, %all_reduce_population_count3A_998 : vector<16xi32>
    %get3A_1000 = arith.constant 48 : index
    %get3A_1001 = tpu.vector_load %arg5[%get3A_1000] {strides = array<i32>} : memref<128xi32, #tpu.memory_space<vmem>>, vector<16xi32>,
    %lt3A_1002 = arith.cmpi slt, %get3A_1001, %scan3A_906#1 : vector<16xi32>
    %eq3A_1003 = arith.cmpi eq, %get3A_1001, %scan3A_906#1 : vector<16xi32>
    %select_n3A_1004 = arith.select %eq3A_1003, %broadcast_in_dim3A_5, %broadcast_in_dim3A_3 : vector<16xi1>, vector<16xi32>
    %broadcast_in_dim3A_1005 = arith.constant true
    %broadcast_in_dim3A_1006 = vector.broadcast %broadcast_in_dim3A_1005 : i1 to vector<16xi1>
    %masked_cumsum3A_1007 = tpu.scan <sum>, %select_n3A_1004 masked %broadcast_in_dim3A_1006 : vector<16xi32>, vector<16xi1> -> vector<16xi32>
    %sub3A_1008 = arith.subi %masked_cumsum3A_1007, %select_n3A_1004 : vector<16xi32>
    %add3A_1009 = arith.addi %sub3A_1008, %add3A_999 : vector<16xi32>
    %lt3A_1010 = arith.cmpi slt, %add3A_1009, %sub3A_948 : vector<16xi32>
    %and3A_1011 = arith.andi %eq3A_1003, %lt3A_1010 : vector<16xi1>
    %or3A_1012 = arith.ori %lt3A_1002, %and3A_1011 : vector<16xi1>
    %select_n3A_1013 = arith.select %or3A_1012, %broadcast_in_dim3A_13, %broadcast_in_dim3A_11 : vector<16xi1>, vector<16xf32>
    %add3A_1014 = arith.addf %add3A_747, %select_n3A_1013 : vector<16xf32>
    %all_reduce_population_count3A_1015 = tpu.all_reduce %eq3A_1003 {dim = 0 : i64, kind = #tpu.reduction_kind<sum>} : vector<16xi1> -> vector<16xi32>
    %add3A_1016 = arith.addi %add3A_999, %all_reduce_population_count3A_1015 : vector<16xi32>
    %get3A_1017 = arith.constant 64 : index
    %get3A_1018 = tpu.vector_load %arg5[%get3A_1017] {strides = array<i32>} : memref<128xi32, #tpu.memory_space<vmem>>, vector<16xi32>,
    %lt3A_1019 = arith.cmpi slt, %get3A_1018, %scan3A_906#1 : vector<16xi32>
    %eq3A_1020 = arith.cmpi eq, %get3A_1018, %scan3A_906#1 : vector<16xi32>
    %select_n3A_1021 = arith.select %eq3A_1020, %broadcast_in_dim3A_5, %broadcast_in_dim3A_3 : vector<16xi1>, vector<16xi32>
    %broadcast_in_dim3A_1022 = arith.constant true
    %broadcast_in_dim3A_1023 = vector.broadcast %broadcast_in_dim3A_1022 : i1 to vector<16xi1>
    %masked_cumsum3A_1024 = tpu.scan <sum>, %select_n3A_1021 masked %broadcast_in_dim3A_1023 : vector<16xi32>, vector<16xi1> -> vector<16xi32>
    %sub3A_1025 = arith.subi %masked_cumsum3A_1024, %select_n3A_1021 : vector<16xi32>
    %add3A_1026 = arith.addi %sub3A_1025, %add3A_1016 : vector<16xi32>
    %lt3A_1027 = arith.cmpi slt, %add3A_1026, %sub3A_948 : vector<16xi32>
    %and3A_1028 = arith.andi %eq3A_1020, %lt3A_1027 : vector<16xi1>
    %or3A_1029 = arith.ori %lt3A_1019, %and3A_1028 : vector<16xi1>
    %select_n3A_1030 = arith.select %or3A_1029, %broadcast_in_dim3A_13, %broadcast_in_dim3A_11 : vector<16xi1>, vector<16xf32>
    %add3A_1031 = arith.addf %add3A_764, %select_n3A_1030 : vector<16xf32>
    %all_reduce_population_count3A_1032 = tpu.all_reduce %eq3A_1020 {dim = 0 : i64, kind = #tpu.reduction_kind<sum>} : vector<16xi1> -> vector<16xi32>
    %add3A_1033 = arith.addi %add3A_1016, %all_reduce_population_count3A_1032 : vector<16xi32>
    %get3A_1034 = arith.constant 80 : index
    %get3A_1035 = tpu.vector_load %arg5[%get3A_1034] {strides = array<i32>} : memref<128xi32, #tpu.memory_space<vmem>>, vector<16xi32>,
    %lt3A_1036 = arith.cmpi slt, %get3A_1035, %scan3A_906#1 : vector<16xi32>
    %eq3A_1037 = arith.cmpi eq, %get3A_1035, %scan3A_906#1 : vector<16xi32>
    %select_n3A_1038 = arith.select %eq3A_1037, %broadcast_in_dim3A_5, %broadcast_in_dim3A_3 : vector<16xi1>, vector<16xi32>
    %broadcast_in_dim3A_1039 = arith.constant true
    %broadcast_in_dim3A_1040 = vector.broadcast %broadcast_in_dim3A_1039 : i1 to vector<16xi1>
    %masked_cumsum3A_1041 = tpu.scan <sum>, %select_n3A_1038 masked %broadcast_in_dim3A_1040 : vector<16xi32>, vector<16xi1> -> vector<16xi32>
    %sub3A_1042 = arith.subi %masked_cumsum3A_1041, %select_n3A_1038 : vector<16xi32>
    %add3A_1043 = arith.addi %sub3A_1042, %add3A_1033 : vector<16xi32>
    %lt3A_1044 = arith.cmpi slt, %add3A_1043, %sub3A_948 : vector<16xi32>
    %and3A_1045 = arith.andi %eq3A_1037, %lt3A_1044 : vector<16xi1>
    %or3A_1046 = arith.ori %lt3A_1036, %and3A_1045 : vector<16xi1>
    %select_n3A_1047 = arith.select %or3A_1046, %broadcast_in_dim3A_13, %broadcast_in_dim3A_11 : vector<16xi1>, vector<16xf32>
    %add3A_1048 = arith.addf %add3A_781, %select_n3A_1047 : vector<16xf32>
    %all_reduce_population_count3A_1049 = tpu.all_reduce %eq3A_1037 {dim = 0 : i64, kind = #tpu.reduction_kind<sum>} : vector<16xi1> -> vector<16xi32>
    %add3A_1050 = arith.addi %add3A_1033, %all_reduce_population_count3A_1049 : vector<16xi32>
    %get3A_1051 = arith.constant 96 : index
    %get3A_1052 = tpu.vector_load %arg5[%get3A_1051] {strides = array<i32>} : memref<128xi32, #tpu.memory_space<vmem>>, vector<16xi32>,
    %lt3A_1053 = arith.cmpi slt, %get3A_1052, %scan3A_906#1 : vector<16xi32>
    %eq3A_1054 = arith.cmpi eq, %get3A_1052, %scan3A_906#1 : vector<16xi32>
    %select_n3A_1055 = arith.select %eq3A_1054, %broadcast_in_dim3A_5, %broadcast_in_dim3A_3 : vector<16xi1>, vector<16xi32>
    %broadcast_in_dim3A_1056 = arith.constant true
    %broadcast_in_dim3A_1057 = vector.broadcast %broadcast_in_dim3A_1056 : i1 to vector<16xi1>
    %masked_cumsum3A_1058 = tpu.scan <sum>, %select_n3A_1055 masked %broadcast_in_dim3A_1057 : vector<16xi32>, vector<16xi1> -> vector<16xi32>
    %sub3A_1059 = arith.subi %masked_cumsum3A_1058, %select_n3A_1055 : vector<16xi32>
    %add3A_1060 = arith.addi %sub3A_1059, %add3A_1050 : vector<16xi32>
    %lt3A_1061 = arith.cmpi slt, %add3A_1060, %sub3A_948 : vector<16xi32>
    %and3A_1062 = arith.andi %eq3A_1054, %lt3A_1061 : vector<16xi1>
    %or3A_1063 = arith.ori %lt3A_1053, %and3A_1062 : vector<16xi1>
    %select_n3A_1064 = arith.select %or3A_1063, %broadcast_in_dim3A_13, %broadcast_in_dim3A_11 : vector<16xi1>, vector<16xf32>
    %add3A_1065 = arith.addf %add3A_798, %select_n3A_1064 : vector<16xf32>
    %all_reduce_population_count3A_1066 = tpu.all_reduce %eq3A_1054 {dim = 0 : i64, kind = #tpu.reduction_kind<sum>} : vector<16xi1> -> vector<16xi32>
    %add3A_1067 = arith.addi %add3A_1050, %all_reduce_population_count3A_1066 : vector<16xi32>
    %get3A_1068 = arith.constant 112 : index
    %get3A_1069 = tpu.vector_load %arg5[%get3A_1068] {strides = array<i32>} : memref<128xi32, #tpu.memory_space<vmem>>, vector<16xi32>,
    %lt3A_1070 = arith.cmpi slt, %get3A_1069, %scan3A_906#1 : vector<16xi32>
    %eq3A_1071 = arith.cmpi eq, %get3A_1069, %scan3A_906#1 : vector<16xi32>
    %select_n3A_1072 = arith.select %eq3A_1071, %broadcast_in_dim3A_5, %broadcast_in_dim3A_3 : vector<16xi1>, vector<16xi32>
    %broadcast_in_dim3A_1073 = arith.constant true
    %broadcast_in_dim3A_1074 = vector.broadcast %broadcast_in_dim3A_1073 : i1 to vector<16xi1>
    %masked_cumsum3A_1075 = tpu.scan <sum>, %select_n3A_1072 masked %broadcast_in_dim3A_1074 : vector<16xi32>, vector<16xi1> -> vector<16xi32>
    %sub3A_1076 = arith.subi %masked_cumsum3A_1075, %select_n3A_1072 : vector<16xi32>
    %add3A_1077 = arith.addi %sub3A_1076, %add3A_1067 : vector<16xi32>
    %lt3A_1078 = arith.cmpi slt, %add3A_1077, %sub3A_948 : vector<16xi32>
    %and3A_1079 = arith.andi %eq3A_1071, %lt3A_1078 : vector<16xi1>
    %or3A_1080 = arith.ori %lt3A_1070, %and3A_1079 : vector<16xi1>
    %select_n3A_1081 = arith.select %or3A_1080, %broadcast_in_dim3A_13, %broadcast_in_dim3A_11 : vector<16xi1>, vector<16xf32>
    %add3A_1082 = arith.addf %add3A_815, %select_n3A_1081 : vector<16xf32>
    %all_reduce_population_count3A_1083 = tpu.all_reduce %eq3A_1071 {dim = 0 : i64, kind = #tpu.reduction_kind<sum>} : vector<16xi1> -> vector<16xi32>
    %add3A_1084 = arith.addi %add3A_1067, %all_reduce_population_count3A_1083 : vector<16xi32>
    %swap3A_1085 = arith.constant 0 : index
    %swap3A_1086 = tpu.vector_load %arg6[%swap3A_1085] {strides = array<i32>} : memref<128xf32, #tpu.memory_space<vmem>>, vector<16xf32>,
    tpu.vector_store %arg6[%swap3A_1085], %add3A_963 {strides = array<i32>} : memref<128xf32, #tpu.memory_space<vmem>>, vector<16xf32>,
    %swap3A_1087 = arith.constant 16 : index
    %swap3A_1088 = tpu.vector_load %arg6[%swap3A_1087] {strides = array<i32>} : memref<128xf32, #tpu.memory_space<vmem>>, vector<16xf32>,
    tpu.vector_store %arg6[%swap3A_1087], %add3A_980 {strides = array<i32>} : memref<128xf32, #tpu.memory_space<vmem>>, vector<16xf32>,
    %swap3A_1089 = arith.constant 32 : index
    %swap3A_1090 = tpu.vector_load %arg6[%swap3A_1089] {strides = array<i32>} : memref<128xf32, #tpu.memory_space<vmem>>, vector<16xf32>,
    tpu.vector_store %arg6[%swap3A_1089], %add3A_997 {strides = array<i32>} : memref<128xf32, #tpu.memory_space<vmem>>, vector<16xf32>,
    %swap3A_1091 = arith.constant 48 : index
    %swap3A_1092 = tpu.vector_load %arg6[%swap3A_1091] {strides = array<i32>} : memref<128xf32, #tpu.memory_space<vmem>>, vector<16xf32>,
    tpu.vector_store %arg6[%swap3A_1091], %add3A_1014 {strides = array<i32>} : memref<128xf32, #tpu.memory_space<vmem>>, vector<16xf32>,
    %swap3A_1093 = arith.constant 64 : index
    %swap3A_1094 = tpu.vector_load %arg6[%swap3A_1093] {strides = array<i32>} : memref<128xf32, #tpu.memory_space<vmem>>, vector<16xf32>,
    tpu.vector_store %arg6[%swap3A_1093], %add3A_1031 {strides = array<i32>} : memref<128xf32, #tpu.memory_space<vmem>>, vector<16xf32>,
    %swap3A_1095 = arith.constant 80 : index
    %swap3A_1096 = tpu.vector_load %arg6[%swap3A_1095] {strides = array<i32>} : memref<128xf32, #tpu.memory_space<vmem>>, vector<16xf32>,
    tpu.vector_store %arg6[%swap3A_1095], %add3A_1048 {strides = array<i32>} : memref<128xf32, #tpu.memory_space<vmem>>, vector<16xf32>,
    %swap3A_1097 = arith.constant 96 : index
    %swap3A_1098 = tpu.vector_load %arg6[%swap3A_1097] {strides = array<i32>} : memref<128xf32, #tpu.memory_space<vmem>>, vector<16xf32>,
    tpu.vector_store %arg6[%swap3A_1097], %add3A_1065 {strides = array<i32>} : memref<128xf32, #tpu.memory_space<vmem>>, vector<16xf32>,
    %swap3A_1099 = arith.constant 112 : index
    %swap3A_1100 = tpu.vector_load %arg6[%swap3A_1099] {strides = array<i32>} : memref<128xf32, #tpu.memory_space<vmem>>, vector<16xf32>,
    tpu.vector_store %arg6[%swap3A_1099], %add3A_1082 {strides = array<i32>} : memref<128xf32, #tpu.memory_space<vmem>>, vector<16xf32>,
    "tpu.region"() ({
      %run_scoped3A = tpu.sem_alloc : memref<!tpu.dma_semaphore, #tpu.memory_space<semaphore_mem>>
      %dma_start3A = arith.constant 0 : i32
      %dma_start3A_1101 = tpu.memref_slice %arg3[%add3A, %dma_start3A] : memref<32x128xf32, #tpu.memory_space<hbm>> -> memref<1x128xf32, #tpu.memory_space<hbm>>
      %dma_start3A_1102 = tpu.memref_squeeze %dma_start3A_1101 : memref<1x128xf32, #tpu.memory_space<hbm>> -> memref<128xf32, #tpu.memory_space<hbm>>
      %dma_start3A_1103 = arith.constant 0 : i32
      %dma_start3A_1104 = tpu.memref_slice %arg3[%add3A, %dma_start3A_1103] : memref<32x128xf32, #tpu.memory_space<hbm>> -> memref<1x128xf32, #tpu.memory_space<hbm>>
      %dma_start3A_1105 = tpu.memref_squeeze %dma_start3A_1104 : memref<1x128xf32, #tpu.memory_space<hbm>> -> memref<128xf32, #tpu.memory_space<hbm>>
      tpu.enqueue_dma source(%arg6 : memref<128xf32, #tpu.memory_space<vmem>>) target(%dma_start3A_1105 : memref<128xf32, #tpu.memory_space<hbm>>) target_semaphore(%run_scoped3A : memref<!tpu.dma_semaphore, #tpu.memory_space<semaphore_mem>>)
      %dma_wait3A = arith.constant 0 : i32
      %dma_wait3A_1106 = tpu.memref_slice %arg3[%add3A, %dma_wait3A] : memref<32x128xf32, #tpu.memory_space<hbm>> -> memref<1x128xf32, #tpu.memory_space<hbm>>
      %dma_wait3A_1107 = tpu.memref_squeeze %dma_wait3A_1106 : memref<1x128xf32, #tpu.memory_space<hbm>> -> memref<128xf32, #tpu.memory_space<hbm>>
      %dma_wait3A_1108 = arith.constant 0 : i32
      %dma_wait3A_1109 = tpu.memref_slice %arg3[%add3A, %dma_wait3A_1108] : memref<32x128xf32, #tpu.memory_space<hbm>> -> memref<1x128xf32, #tpu.memory_space<hbm>>
      %dma_wait3A_1110 = tpu.memref_squeeze %dma_wait3A_1109 : memref<1x128xf32, #tpu.memory_space<hbm>> -> memref<128xf32, #tpu.memory_space<hbm>>
      tpu.wait_dma2 semaphore(%run_scoped3A : memref<!tpu.dma_semaphore, #tpu.memory_space<semaphore_mem>>) src(%arg6 : memref<128xf32, #tpu.memory_space<vmem>>) dst(%dma_wait3A_1110 : memref<128xf32, #tpu.memory_space<hbm>>)
      tpu.yield
    }) : () -> ()
    return
  }
}

module attributes {stable_mosaic.version = 14 : i64} {
  func.func @_nd_kernel(%arg0: memref<128x64xf32, #tpu.memory_space<vmem>>, %arg1: memref<128x64xf32, #tpu.memory_space<vmem>>, %arg2: memref<128x128xf32, #tpu.memory_space<vmem>>) attributes {dimension_semantics = [], scalar_prefetch = 0 : i64, scratch_operands = 0 : i64, tpu.core_type = #tpu.core_type<tc>} {
    %get3A = arith.constant 0 : index
    %get3A_0 = arith.constant 0 : index
    %get3A_1 = vector.load %arg0[%get3A, %get3A_0] : memref<128x64xf32, #tpu.memory_space<vmem>>, vector<128x64xf32>
    %get3A_2 = arith.constant 0 : index
    %get3A_3 = arith.constant 0 : index
    %get3A_4 = vector.load %arg1[%get3A_2, %get3A_3] : memref<128x64xf32, #tpu.memory_space<vmem>>, vector<128x64xf32>
    %mul3A = arith.mulf %get3A_1, %get3A_1 : vector<128x64xf32>
    %reduce_sum3A = arith.constant dense<0.000000e+00> : vector<128xf32>
    %reduce_sum3A_5 = vector.multi_reduction <add>, %mul3A, %reduce_sum3A [1] : vector<128x64xf32> to vector<128xf32>
    %broadcast_in_dim3A = vector.shape_cast %reduce_sum3A_5 : vector<128xf32> to vector<128x1xf32>
    %mul3A_6 = arith.mulf %get3A_4, %get3A_4 : vector<128x64xf32>
    %reduce_sum3A_7 = arith.constant dense<0.000000e+00> : vector<128xf32>
    %reduce_sum3A_8 = vector.multi_reduction <add>, %mul3A_6, %reduce_sum3A_7 [1] : vector<128x64xf32> to vector<128xf32>
    %broadcast_in_dim3A_9 = vector.shape_cast %reduce_sum3A_8 : vector<128xf32> to vector<128x1xf32>
    %broadcast_in_dim3A_10 = arith.constant 1.000000e+00 : f32
    %broadcast_in_dim3A_11 = vector.broadcast %broadcast_in_dim3A_10 : f32 to vector<128x1xf32>
    %mul3A_12 = arith.constant -2.000000e+00 : f32
    %mul3A_13 = vector.broadcast %mul3A_12 : f32 to vector<128x64xf32>
    %mul3A_14 = arith.mulf %mul3A_13, %get3A_1 : vector<128x64xf32>
    %concatenate3A = tpu.concatenate %mul3A_14, %broadcast_in_dim3A_11 in 1 : vector<128x64xf32>, vector<128x1xf32> -> vector<128x65xf32>
    %concatenate3A_15 = tpu.concatenate %get3A_4, %broadcast_in_dim3A_9 in 1 : vector<128x64xf32>, vector<128x1xf32> -> vector<128x65xf32>
    %dot_general3A = arith.constant dense<0.000000e+00> : vector<128x128xf32>
    %dot_general3A_16 = tpu.matmul %concatenate3A, %concatenate3A_15, %dot_general3A {dimension_numbers = #tpu.dot_dimension_numbers<[1], [1], [0], [0], [0, 0, 1, 0], [], []>, transpose_lhs_hint = false} : vector<128x65xf32>, vector<128x65xf32>, vector<128x128xf32> -> vector<128x128xf32>
    %add3A = vector.broadcast %broadcast_in_dim3A : vector<128x1xf32> to vector<128x128xf32>
    %add3A_17 = arith.addf %dot_general3A_16, %add3A : vector<128x128xf32>
    %swap3A = arith.constant 0 : index
    %swap3A_18 = arith.constant 0 : index
    %swap3A_19 = vector.load %arg2[%swap3A, %swap3A_18] : memref<128x128xf32, #tpu.memory_space<vmem>>, vector<128x128xf32>
    tpu.vector_store %arg2[%swap3A, %swap3A_18], %add3A_17 {strides = array<i32>} : memref<128x128xf32, #tpu.memory_space<vmem>>, vector<128x128xf32>,
    return
  }
}

module attributes {stable_mosaic.version = 14 : i64} {
  func.func @_finish_kernel(%arg0: memref<128x64xf32, #tpu.memory_space<vmem>>, %arg1: memref<128x64xf32, #tpu.memory_space<vmem>>, %arg2: memref<128x64xf32, #tpu.memory_space<vmem>>, %arg3: memref<32x128xf32, #tpu.memory_space<vmem>>, %arg4: memref<1x1xf32, #tpu.memory_space<vmem>>) attributes {dimension_semantics = [], scalar_prefetch = 0 : i64, scratch_operands = 0 : i64, tpu.core_type = #tpu.core_type<tc>} {
    %get3A = arith.constant 0 : index
    %get3A_0 = arith.constant 0 : index
    %get3A_1 = vector.load %arg0[%get3A, %get3A_0] : memref<128x64xf32, #tpu.memory_space<vmem>>, vector<128x64xf32>
    %get3A_2 = arith.constant 0 : index
    %get3A_3 = arith.constant 0 : index
    %get3A_4 = vector.load %arg1[%get3A_2, %get3A_3] : memref<128x64xf32, #tpu.memory_space<vmem>>, vector<128x64xf32>
    %get3A_5 = arith.constant 0 : index
    %get3A_6 = arith.constant 0 : index
    %get3A_7 = vector.load %arg2[%get3A_5, %get3A_6] : memref<128x64xf32, #tpu.memory_space<vmem>>, vector<128x64xf32>
    %mul3A = arith.mulf %get3A_1, %get3A_1 : vector<128x64xf32>
    %reduce_sum3A = arith.constant dense<0.000000e+00> : vector<128xf32>
    %reduce_sum3A_8 = vector.multi_reduction <add>, %mul3A, %reduce_sum3A [1] : vector<128x64xf32> to vector<128xf32>
    %broadcast_in_dim3A = vector.shape_cast %reduce_sum3A_8 : vector<128xf32> to vector<128x1xf32>
    %mul3A_9 = arith.mulf %get3A_7, %get3A_7 : vector<128x64xf32>
    %reduce_sum3A_10 = arith.constant dense<0.000000e+00> : vector<128xf32>
    %reduce_sum3A_11 = vector.multi_reduction <add>, %mul3A_9, %reduce_sum3A_10 [1] : vector<128x64xf32> to vector<128xf32>
    %broadcast_in_dim3A_12 = vector.shape_cast %reduce_sum3A_11 : vector<128xf32> to vector<128x1xf32>
    %sub3A = arith.subf %get3A_1, %get3A_4 : vector<128x64xf32>
    %mul3A_13 = arith.mulf %sub3A, %sub3A : vector<128x64xf32>
    %reduce_sum3A_14 = arith.constant dense<0.000000e+00> : vector<128xf32>
    %reduce_sum3A_15 = vector.multi_reduction <add>, %mul3A_13, %reduce_sum3A_14 [1] : vector<128x64xf32> to vector<128xf32>
    %broadcast_in_dim3A_16 = vector.shape_cast %reduce_sum3A_15 : vector<128xf32> to vector<128x1xf32>
    %broadcast_in_dim3A_17 = arith.constant 1.000000e+00 : f32
    %broadcast_in_dim3A_18 = vector.broadcast %broadcast_in_dim3A_17 : f32 to vector<128x1xf32>
    %mul3A_19 = arith.constant -2.000000e+00 : f32
    %mul3A_20 = vector.broadcast %mul3A_19 : f32 to vector<128x64xf32>
    %mul3A_21 = arith.mulf %mul3A_20, %get3A_1 : vector<128x64xf32>
    %concatenate3A = tpu.concatenate %mul3A_21, %broadcast_in_dim3A_18 in 1 : vector<128x64xf32>, vector<128x1xf32> -> vector<128x65xf32>
    %concatenate3A_22 = tpu.concatenate %get3A_7, %broadcast_in_dim3A_12 in 1 : vector<128x64xf32>, vector<128x1xf32> -> vector<128x65xf32>
    %dot_general3A = arith.constant dense<0.000000e+00> : vector<128x128xf32>
    %dot_general3A_23 = tpu.matmul %concatenate3A, %concatenate3A_22, %dot_general3A {dimension_numbers = #tpu.dot_dimension_numbers<[1], [1], [0], [0], [0, 0, 1, 0], [], []>, transpose_lhs_hint = false} : vector<128x65xf32>, vector<128x65xf32>, vector<128x128xf32> -> vector<128x128xf32>
    %add3A = vector.broadcast %broadcast_in_dim3A : vector<128x1xf32> to vector<128x128xf32>
    %add3A_24 = arith.addf %dot_general3A_23, %add3A : vector<128x128xf32>
    %mul3A_25 = arith.constant -2.000000e+00 : f32
    %mul3A_26 = vector.broadcast %mul3A_25 : f32 to vector<128x64xf32>
    %mul3A_27 = arith.mulf %mul3A_26, %get3A_7 : vector<128x64xf32>
    %concatenate3A_28 = tpu.concatenate %mul3A_27, %broadcast_in_dim3A_18 in 1 : vector<128x64xf32>, vector<128x1xf32> -> vector<128x65xf32>
    %concatenate3A_29 = tpu.concatenate %get3A_1, %broadcast_in_dim3A in 1 : vector<128x64xf32>, vector<128x1xf32> -> vector<128x65xf32>
    %dot_general3A_30 = arith.constant dense<0.000000e+00> : vector<128x128xf32>
    %dot_general3A_31 = tpu.matmul %concatenate3A_28, %concatenate3A_29, %dot_general3A_30 {dimension_numbers = #tpu.dot_dimension_numbers<[1], [1], [0], [0], [0, 0, 1, 0], [], []>, transpose_lhs_hint = false} : vector<128x65xf32>, vector<128x65xf32>, vector<128x128xf32> -> vector<128x128xf32>
    %add3A_32 = vector.broadcast %broadcast_in_dim3A_12 : vector<128x1xf32> to vector<128x128xf32>
    %add3A_33 = arith.addf %dot_general3A_31, %add3A_32 : vector<128x128xf32>
    %add3A_34 = arith.constant 1.000000e+00 : f32
    %add3A_35 = vector.broadcast %add3A_34 : f32 to vector<128x1xf32>
    %add3A_36 = arith.addf %add3A_35, %broadcast_in_dim3A_16 : vector<128x1xf32>
    %sub3A_37 = vector.broadcast %add3A_36 : vector<128x1xf32> to vector<128x128xf32>
    %sub3A_38 = arith.subf %sub3A_37, %add3A_33 : vector<128x128xf32>
    %max3A = arith.constant 0.000000e+00 : f32
    %max3A_39 = vector.broadcast %max3A : f32 to vector<128x128xf32>
    %max3A_40 = arith.maximumf %sub3A_38, %max3A_39 : vector<128x128xf32>
    %reduce_sum3A_41 = vector.shape_cast %max3A_40 : vector<128x128xf32> to vector<1x128x128xf32>
    %reduce_sum3A_42 = arith.constant dense<0.000000e+00> : vector<1xf32>
    %reduce_sum3A_43 = vector.multi_reduction <add>, %reduce_sum3A_41, %reduce_sum3A_42 [1, 2] : vector<1x128x128xf32> to vector<1xf32>
    %reduce_sum3A_44 = vector.shape_cast %reduce_sum3A_43 : vector<1xf32> to vector<1x1x1xf32>
    %reduce_sum3A_45 = vector.extract %reduce_sum3A_44[0, 0, 0] : f32 from vector<1x1x1xf32>
    %broadcast_in_dim3A_46 = vector.broadcast %reduce_sum3A_45 : f32 to vector<1x1xf32>
    %add3A_47 = arith.constant 1.000000e+00 : f32
    %add3A_48 = vector.broadcast %add3A_47 : f32 to vector<128x1xf32>
    %add3A_49 = arith.addf %add3A_48, %broadcast_in_dim3A_16 : vector<128x1xf32>
    %sub3A_50 = vector.broadcast %add3A_49 : vector<128x1xf32> to vector<128x128xf32>
    %sub3A_51 = arith.subf %sub3A_50, %add3A_24 : vector<128x128xf32>
    %max3A_52 = arith.constant 0.000000e+00 : f32
    %max3A_53 = vector.broadcast %max3A_52 : f32 to vector<128x128xf32>
    %max3A_54 = arith.maximumf %sub3A_51, %max3A_53 : vector<128x128xf32>
    %reduce_sum3A_55 = arith.constant dense<0.000000e+00> : vector<128xf32>
    %reduce_sum3A_56 = vector.multi_reduction <add>, %max3A_54, %reduce_sum3A_55 [0] : vector<128x128xf32> to vector<128xf32>
    %broadcast_in_dim3A_57 = vector.shape_cast %reduce_sum3A_56 : vector<128xf32> to vector<1x128xf32>
    %get3A_58 = arith.constant 0 : index
    %get3A_59 = arith.constant 0 : index
    %get3A_60 = vector.load %arg3[%get3A_58, %get3A_59] : memref<32x128xf32, #tpu.memory_space<vmem>>, vector<32x128xf32>
    %reduce_sum3A_61 = arith.constant dense<0.000000e+00> : vector<128xf32>
    %reduce_sum3A_62 = vector.multi_reduction <add>, %get3A_60, %reduce_sum3A_61 [0] : vector<32x128xf32> to vector<128xf32>
    %broadcast_in_dim3A_63 = vector.shape_cast %reduce_sum3A_62 : vector<128xf32> to vector<1x128xf32>
    %mul3A_64 = arith.mulf %broadcast_in_dim3A_63, %broadcast_in_dim3A_57 : vector<1x128xf32>
    %reduce_sum3A_65 = vector.shape_cast %mul3A_64 : vector<1x128xf32> to vector<1x1x128xf32>
    %reduce_sum3A_66 = arith.constant dense<0.000000e+00> : vector<1xf32>
    %reduce_sum3A_67 = vector.multi_reduction <add>, %reduce_sum3A_65, %reduce_sum3A_66 [1, 2] : vector<1x1x128xf32> to vector<1xf32>
    %reduce_sum3A_68 = vector.shape_cast %reduce_sum3A_67 : vector<1xf32> to vector<1x1x1xf32>
    %reduce_sum3A_69 = vector.extract %reduce_sum3A_68[0, 0, 0] : f32 from vector<1x1x1xf32>
    %broadcast_in_dim3A_70 = vector.broadcast %reduce_sum3A_69 : f32 to vector<1x1xf32>
    %div3A = arith.constant 1.638400e+04 : f32
    %div3A_71 = vector.broadcast %div3A : f32 to vector<1x1xf32>
    %div3A_72 = arith.divf %broadcast_in_dim3A_46, %div3A_71 : vector<1x1xf32>
    %div3A_73 = arith.constant 0x49800000 : f32
    %div3A_74 = vector.broadcast %div3A_73 : f32 to vector<1x1xf32>
    %div3A_75 = arith.divf %broadcast_in_dim3A_70, %div3A_74 : vector<1x1xf32>
    %add3A_76 = arith.addf %div3A_72, %div3A_75 : vector<1x1xf32>
    %swap3A = arith.constant 0 : index
    %swap3A_77 = arith.constant 0 : index
    %swap3A_78 = vector.load %arg4[%swap3A, %swap3A_77] : memref<1x1xf32, #tpu.memory_space<vmem>>, vector<1x1xf32>
    tpu.vector_store %arg4[%swap3A, %swap3A_77], %add3A_76 {strides = array<i32>} : memref<1x1xf32, #tpu.memory_space<vmem>>, vector<1x1xf32>,
    return
  }
}

</mosaic_0001>

<sc_bundles>
// kernel: kernel.5.cloned.1.call-start
scs
__scs_entry_jumppad:
0x0: {  	(pc) =	sbr.rel $0x88, $3  }
0x1: {  	(tag) =	ssettag $0x0;
	lr =	simm.s32 $0x1  }
0x2: {  	[smem:$0x3F9E] =	sst lr;
	_ =	strace $0xD0000000  }
0x3: {  	_ = 	snop  }
0x4: {  	_ = 	snop  }
0x5: {  	_ = 	snop  }
0x6: {  	_ = 	snop  }
0x7: {  	_ = 	snop  }
__scs_overlays_trampoline_lowered:
0x8: {  	[smem:$0x3FAD] =	sst s0  }
0x9: {  	[smem:$0x3FAE] =	sst s1  }
0xa: {  	[smem:$0x3FAF] =	sst s2  }
0xb: {  	[smem:$0x3FB0] =	sst s3  }
0xc: {  	[smem:$0x3FB1] =	sst s4  }
0xd: {  	[smem:$0x3FB2] =	sst s5  }
0xe: {  	[smem:$0x3FB3] =	sst s6  }
0xf: {  	[smem:$0x3FB4] =	sst s7  }
0x10: {  	[smem:$0x3FB5] =	sst s8  }
0x11: {  	[smem:$0x3FB6] =	sst s9;
	s0 =	simm.s32 @!p0 $0x0  }
0x12: {  	s1 =	sld [smem:$0x3F9C];
	s0 =	simm.s32 @p0 $0x1  }
0x13: {  	[smem:$0x3FB7] =	sst s0;
	s0 =	simm.s32 @!p1 $0x0  }
0x14: {  	s2 =	sld [smem:$0x3F9B];
	s0 =	simm.s32 @p1 $0x1  }
0x15: {  	[smem:$0x3FB8] =	sst s0;
	s0 =	simm.s32 @!p2 $0x0  }
0x16: {  	s3 =	sld [smem:$0x3FDB];
	s0 =	simm.s32 @p2 $0x1  }
0x17: {  	s4 =	simm.s32 $0x1BF5;
	[smem:$0x3FBA] =	sst s0  }
0x18: {  	s0 =	sld [smem:$0x3F9D];
	_ =	swait.ge [sflag:s4], $0x0  }
0x19: {  	s7 =	sld [smem:$0x3F9E]  }
0x1a: {  	s8 =	sadd.s32 $0xFFFFE003, lr  }
0x1b: {  	s9 =	sadd.s32 $0xFFFFFEF7, lr;
	s5 =	simm.s32 $0xFFFFFFFF;
	p2 =	slt.u32 s8, $0xFFFFF086  }
0x1c: {  	p1 =	slt.u32 s9, $0xF7A;
	s5 =	simm.s32 @!p2 $0x0  }
0x1d: {  	s5 =	simm.s32 @p1 $0x1;
	p0 =	seq.s32 s7, s2  }
0x1e: {  	s7 =	smul.u32 @!p0 $0xF7A, s2;
	p2 =	seq.s32 @!p0 s5, $0x0  }
0x1f: {  	s9 =	smul.u32 $0xF7A, s1;
	s8 =	simm.s32 @!p0 $0x1BF5;
	p2 =	por !p2, p0  }
0x20: {  	[sflag:s8] =	ssyncset.s32 @!p0 $0xFFFFF086;
	s6 =	sadd.s32 @!p0 s3, s7;
	s7 =	simm.s32 @!p0 $0x108  }
0x21: {  	s3 =	sadd.s32 s3, s9;
	s6 =	sadd.s32 @!p0 $0x88, s6;
	s7 =	simm.s32 @p2 $0x1082  }
0x22: {  	[simem:s7], [sflag:s8] =	dma.local @!p0 [hbm:s6], $0xF7A  }
0x23: {  	s9 =	sor.u32 $0xD0000000, s2;
	s6 =	simm.s32 $0x108;
	_ =	swait.ge @!p0 [sflag:s8], $0x0  }
0x24: {  	s3 =	sadd.s32 $0x88, s3;
	s6 =	simm.s32 @!p1 $0x1082;
	[sflag:s4] =	ssyncset.s32 $0xFFFFF086  }
0x25: {  	[simem:s6], [sflag:s4] =	dma.local [hbm:s3], $0xF7A  }
0x26: {  	[smem:$0x3F9E] =	sst s1;
	(tag) =	ssettag s2;
	_ =	strace s9  }
0x27: {  	s1 =	sld [smem:$0x3FAE]  }
0x28: {  	s2 =	sld [smem:$0x3FAF]  }
0x29: {  	s4 =	sld [smem:$0x3FB1]  }
0x2a: {  	p0 =	seq.s32 s5, $0x0;
	s5 =	sld [smem:$0x3FB2]  }
0x2b: {  	s6 =	sld [smem:$0x3FB3]  }
0x2c: {  	s7 =	sld [smem:$0x3FB4]  }
0x2d: {  	s3 =	simm.s32 $0x108;
	s8 =	sld [smem:$0x3FB5]  }
0x2e: {  	s3 =	simm.s32 @!p0 $0x1082;
	s9 =	sld [smem:$0x3FB6]  }
0x2f: {  	lr =	sadd.s32 s0, s3;
	s0 =	sld [smem:$0x3FAD]  }
0x30: {  	s3 =	sld [smem:$0x3FB0]  }
0x31: {  	[smem:$0x3FB9] =	sst s10  }
0x32: {  	s10 =	sld [smem:$0x3FB7];
	_ =	sdelay $0x3  }
0x33: {  	p0 =	seq.s32 s10, $0x1;
	s10 =	sld [smem:$0x3FB9];
	_ =	sdelay $0x3  }
0x34: {  	[smem:$0x3FB9] =	sst s10  }
0x35: {  	s10 =	sld [smem:$0x3FB8];
	_ =	sdelay $0x3  }
0x36: {  	p1 =	seq.s32 s10, $0x1;
	s10 =	sld [smem:$0x3FB9];
	_ =	sdelay $0x3  }
0x37: {  	[smem:$0x3FB9] =	sst s10  }
0x38: {  	s10 =	sld [smem:$0x3FBA]  }
0x39: {  	_ = 	snop;
	(pc) =	sbr.ind lr, $3  }
0x3a: {  	_ = 	snop  }
0x3b: {  	_ = 	snop  }
0x3c: {  	p2 =	seq.s32 s10, $0x1;
	s10 =	sld [smem:$0x3FB9]  }
0x3d: {  	_ =	shalt  }
0x3e: {  	_ =	shalt  }
0x3f: {  	_ =	shalt  }
0x40: {  	_ =	shalt  }
0x41: {  	_ =	shalt  }
0x42: {  	_ =	shalt  }
0x43: {  	_ =	shalt  }
0x44: {  	_ =	shalt  }
0x45: {  	_ =	shalt  }
0x46: {  	_ =	shalt  }
0x47: {  	_ =	shalt  }
0x48: {  	_ =	shalt  }
0x49: {  	_ =	shalt  }
0x4a: {  	_ =	shalt  }
0x4b: {  	_ =	shalt  }
0x4c: {  	_ =	shalt  }
0x4d: {  	_ =	shalt  }
0x4e: {  	_ =	shalt  }
0x4f: {  	_ =	shalt  }
0x50: {  	_ =	shalt  }
0x51: {  	_ =	shalt  }
0x52: {  	_ =	shalt  }
0x53: {  	_ =	shalt  }
0x54: {  	_ =	shalt  }
0x55: {  	_ =	shalt  }
0x56: {  	_ =	shalt  }
0x57: {  	_ =	shalt  }
0x58: {  	_ =	shalt  }
0x59: {  	_ =	shalt  }
0x5a: {  	_ =	shalt  }
0x5b: {  	_ =	shalt  }
0x5c: {  	_ =	shalt  }
0x5d: {  	_ =	shalt  }
0x5e: {  	_ =	shalt  }
0x5f: {  	_ =	shalt  }
0x60: {  	_ =	shalt  }
0x61: {  	_ =	shalt  }
0x62: {  	_ =	shalt  }
0x63: {  	_ =	shalt  }
0x64: {  	_ =	shalt  }
0x65: {  	_ =	shalt  }
0x66: {  	_ =	shalt  }
0x67: {  	_ =	shalt  }
0x68: {  	_ =	shalt  }
0x69: {  	_ =	shalt  }
0x6a: {  	_ =	shalt  }
0x6b: {  	_ =	shalt  }
0x6c: {  	_ =	shalt  }
0x6d: {  	_ =	shalt  }
0x6e: {  	_ =	shalt  }
0x6f: {  	_ =	shalt  }
0x70: {  	_ =	shalt  }
0x71: {  	_ =	shalt  }
0x72: {  	_ =	shalt  }
0x73: {  	_ =	shalt  }
0x74: {  	_ =	shalt  }
0x75: {  	_ =	shalt  }
0x76: {  	_ =	shalt  }
0x77: {  	_ =	shalt  }
0x78: {  	_ =	shalt  }
0x79: {  	_ =	shalt  }
0x7a: {  	_ =	shalt  }
0x7b: {  	_ =	shalt  }
0x7c: {  	_ =	shalt  }
0x7d: {  	_ =	shalt  }
0x7e: {  	_ =	shalt  }
0x7f: {  	_ =	shalt  }
0x80: {  	_ =	shalt  }
0x81: {  	_ =	shalt  }
0x82: {  	_ =	shalt  }
0x83: {  	_ =	shalt  }
0x84: {  	_ =	shalt  }
0x85: {  	_ =	shalt  }
0x86: {  	_ =	shalt  }
0x87: {  	_ =	shalt  }
.Lfunc_end0:
.L_simem_size_0:
called_computation_lowered:
.L_overlay_start_0:
0x88: {  	s2 =	sld [smem:$0x3FD9]  }
0x89: {  	s3 =	sld [smem:$0x3FFE];
	_ =	sdelay $0x1  }
0x8a: {  	s1 =	srdreg.scid  }
0x8b: {  	s0 =	sand.u32 $0x1, s1  }
0x8c: {  	s16 =	sshll.u32 s0, $0xA;
	s2 =	sadd.s32 s3, s2  }
0x8d: {  	s2 =	sadd.s32 s2, s16  }
0x8e: {  	[smem:$0x3FC5] =	sst s2  }
0x8f: {  	_ = 	snop  }
0x90: {  	(tm) =	ssettm $0x1  }
0x91: {  	s17 =	sld [smem:$0x3FFB];
	_ =	sdelay $0x3  }
0x92: {  	_ =	strace s17  }
0x93: {  	s2 =	sld [smem:$0x3FFC];
	_ =	sdelay $0x3  }
0x94: {  	_ =	strace s2  }
0x95: {  	s2 =	sld [smem:$0x3FFD];
	_ =	sdelay $0x3  }
0x96: {  	_ =	strace s2  }
0x97: {  	_ =	strace $0x8FFFFFFF  }
0x98: {  	s18 =	sld [smem:$0x3FDB];
	_ =	sdelay $0x1  }
0x99: {  	s19 =	simm.s32 $_scs_section_size  }
0x9a: {  	s4 =	simm.s32 $_size__tile_overlayer_lowered;
	s5 =	simm.s32 $_tile_overlayer_lowered  }
0x9b: {  	s22 =	simm.s32 $0x1BFF;
	s21 =	sshll.u32 s5, $0x1;
	s2 =	sadd.s32 s19, s18  }
0x9c: {  	s6 =	simm.s32 $0x0;
	s20 =	sshll.u32 s4, $0x1;
	s4 =	sadd.s32 s21, s2  }
0x9d: {  	[timem:s6], [sflag:s22] =	dma.local [hbm:s4], s20  }
0x9e: {  	_ =	swait.ge [sflag:s22], s20  }
0x9f: {  	s3 =	ssub.s32 $0x0, s20;
	[sflag:s22] =	ssyncset.done $0x0  }
0xa0: {  	[sflag:s22] =	ssyncadd.s32 s3;
	_ =	sdelay $0x1  }
0xa1: {  	s23 =	simm.s32 $0x1B8B  }
0xa2: {  	_ =	swait.ge [sflag:s23], $0x1  }
0xa3: {  	[sflag:s23] =	ssyncset.done $0x0  }
0xa4: {  	s25 =	simm.s32 $0x1B8E;
	s24 =	sld [smem:$0x3FFE];
	[sflag:s23] =	ssyncadd.s32 $0xFFFFFFFF  }
0xa5: {  	s26 =	simm.s32 $execute0_lowered;
	[smem:$0x3FD2] =	sst s25  }
0xa6: {  	s4 =	sshll.u32 s26, $0x1;
	_ =	strace $0x80000046;
	[dreg:$0x1] =	wrdreg $0xFFFFFFFF  }
0xa7: {  	s28 =	simm.s32 $_size_execute0_lowered;
	s2 =	sadd.s32 s2, s4;
	[dreg:$0x0] =	wrdreg $0x0  }
0xa8: {  	s4 =	sshll.u32 s28, $0x1;
	[dreg:$0x2] =	wrdreg s2  }
0xa9: {  	[dreg:$0x3] =	wrdreg s4  }
0xaa: {  	[dreg:$0x4] =	wrdreg $0xC0  }
0xab: {  	_ =	task [dreg:s6], $0x5FFFF  }
0xac: {  	[dreg:$0x1] =	wrdreg $0xFFFFFFFF  }
0xad: {  	[dreg:$0x0] =	wrdreg $0x60  }
0xae: {  	[dreg:$0x2] =	wrdreg s24  }
0xaf: {  	[dreg:$0x3] =	wrdreg $0x9  }
0xb0: {  	_ =	task.clear_ibuf [dreg:s6], $0x4FFFF;
	_ =	strace $0x90000046  }
0xb1: {  	s29 =	simm.s32 $0x9;
	_ =	strace $0x80000048  }
0xb2: {  	_ =	swait.ge [sflag:s29], $0x1  }
0xb3: {  	[sflag:s29] =	ssyncadd.s32 $0xFFFFFFFF  }
0xb4: {  	_ =	strace $0x90000048  }
0xb5: {  	_ =	sfence  }
0xb6: {  	s30 =	sld [smem:$0x0];
	_ =	sdelay $0x2  }
0xb7: {  	s31 =	sshll.u32 s1, $0xD;
	s1 =	sshrl.u32 s1, $0x2  }
0xb8: {  	s3 =	sand.u32 $0x4000, s31;
	s1 =	sadd.s32 s1, s30  }
0xb9: {  	s0 =	sor.u32 s3, s0;
	s1 =	sshll.u32 s1, $0x11  }
0xba: {  	s0 =	sor.u32 s1, s0  }
0xbb: {  	s0 =	sadd.s32 $0x8F2B, s0  }
0xbc: {  	[sflag:s0] =	ssyncadd.remote.s32 $0x1  }
0xbd: {  	_ =	sfence.sel $0xFFFF  }
0xbe: {  	[dreg:$0x0] =	wrdreg $0xFFFFFFFF;
	(pc) =	sbr.abs _section_cstart, $3  }
0xbf: {  	[dreg:$0x1] =	wrdreg $0xFFFFFFFF  }
0xc0: {  	_ =	task.clear_ibuf [dreg:s6], $0x2FFFF;
	_ =	strace $0x9FFFFFFF  }
0xc1: {  	(tm) =	ssettm $0x7FFFFFFF  }
tec
execute0_lowered:
.L_overlay_start_1:
0x0: {  	(tag) =	ssettag $0x1  }
0x1: {  	s2 =	rddreg [dreg:$0x0];
	s3 =	srdreg.scid  }
0x2: {  	s0 =	rddreg [dreg:$0x1];
	s1 =	simm.s32 $0x0;
	s3 =	sand.u32 $0x1, s3  }
0x3: {  	[smem:$0x7FF] =	sst s1;
	s4 =	sshll.u32 s3, $0x6  }
0x4: {  	_ =	strace $0x80000047;
	s5 =	sshll.u32 s3, $0x4;
	s3 =	ssub.s32 $0x2, s3  }
0x5: {  	s4 =	sadd.s32 s4, s2;
	s5 =	sadd.s32 s5, s2;
	s2 =	stileid.u32  }
0x6: {  	s6 =	sshrl.u32 s3, $0x1;
	s7 =	sshll.u32 s2, $0x7;
	s8 =	sshll.u32 s2, $0x5  }
0x7: {  	s6 =	ssub.s32 s3, s6;
	s30 =	sadd.s32 s7, s4;
	s31 =	sadd.s32 s8, s5  }
0x8: {  	s5 =	smax.u32 s6, $0x1;
	s6 =	simm.s32 $0x1;
	s7 =	simm.s32 $0x280  }
0x9: {  	v0 =	vimm.s32 $0x0;
	v1 =	vimm.f32 $0.0e+00;
	s8 =	simm.s32 $0x0;
	s3 =	sadd.s32 $0xC00, s30;
	s4 =	sadd.s32 $0x1400, s31  }
.LBB2_1:
0xa: {  	[tilespmem:s1], [sflag:$0x1] =	stream.linear.gather [hbm4b:s3+s1], $0x200, $0x38;
	[tilespmem:$0x300] =	vst v63  }
0xb: {  	_ =	swait.ge [sflag:s6], $0x200  }
0xc: {  	[sflag:s6] =	ssyncset.done $0x0  }
0xd: {  	[sflag:s6] =	ssyncadd.s32 $0xFFFFFE00  }
0xe: {  	v2 =	vld [tilespmem:$0x0]  }
0xf: {  	v4 =	vld [tilespmem:$0x10]  }
0x10: {  	v6 =	vld [tilespmem:$0x20]  }
0x11: {  	v7 =	vld [tilespmem:$0x30]  }
0x12: {  	v8 =	vld [tilespmem:$0x40]  }
0x13: {  	v9 =	vld [tilespmem:$0x50];
	vm0 =	vlt.s32 v2, $0x0;
	v3 =	vxor.u32 $0x7FFFFFFF, v2  }
0x14: {  	v10 =	vld [tilespmem:$0x60];
	vm9 =	vlt.s32 v4, $0x0;
	v3 =	vsel vm0, v3, v2;
	v2 =	vxor.u32 $0x7FFFFFFF, v4  }
0x15: {  	v11 =	vld [tilespmem:$0x70];
	vm10 =	vlt.s32 v6, $0x0;
	[tilespmem:$0x200] =	vst v3;
	v5 =	vsel vm9, v2, v4;
	v2 =	vxor.u32 $0x7FFFFFFF, v6  }
0x16: {  	vm11 =	vlt.s32 v7, $0x0;
	[tilespmem:$0x210] =	vst v5;
	v6 =	vsel vm10, v2, v6;
	v2 =	vxor.u32 $0x7FFFFFFF, v7  }
0x17: {  	vm12 =	vlt.s32 v8, $0x0;
	[tilespmem:$0x220] =	vst v6;
	v7 =	vsel vm11, v2, v7;
	v2 =	vxor.u32 $0x7FFFFFFF, v8  }
0x18: {  	vm13 =	vlt.s32 v9, $0x0;
	[tilespmem:$0x230] =	vst v7;
	v12 =	vsel vm12, v2, v8;
	v2 =	vxor.u32 $0x7FFFFFFF, v9  }
0x19: {  	vm14 =	vlt.s32 v10, $0x0;
	[tilespmem:$0x240] =	vst v12;
	v14 =	vsel vm13, v2, v9;
	v2 =	vxor.u32 $0x7FFFFFFF, v10  }
0x1a: {  	vm15 =	vlt.s32 v11, $0x0;
	[tilespmem:$0x250] =	vst v14;
	v13 =	vsel vm14, v2, v10;
	v2 =	vxor.u32 $0x7FFFFFFF, v11  }
0x1b: {  	v4 =	vimm.s32 $0x7FFFFFFF;
	v8 =	vimm.s32 $0x80000000;
	[tilespmem:$0x260] =	vst v13;
	v2 =	vsel vm15, v2, v11  }
0x1c: {  	s9 =	simm.s32 $0x21;
	v9 =	vand.u32 v4, v8;
	v10 =	vxor.u32 v4, v8;
	[tilespmem:$0x270] =	vst v2  }
.LBB2_2:
0x1d: {  	p0 =	sne.s32 s9, $0x1;
	v10 =	vshra.s32 v10, $0x1  }
0x1e: {  	v9 =	vadd.s32 v10, v9  }
0x1f: {  	vm0 =	vle.s32 v3, v9;
	vm1 =	vle.s32 v5, v9  }
0x20: {  	v10 =	vmpcnt.ones.xlane vm0;
	v11 =	vmpcnt.ones.xlane vm1;
	vm0 =	vle.s32 v6, v9  }
0x21: {  	v15 =	vmpcnt.ones.xlane vm0;
	vm0 =	vle.s32 v7, v9  }
0x22: {  	v10 =	vadd.s32 v10, v11;
	v11 =	vmpcnt.ones.xlane vm0;
	vm0 =	vle.s32 v12, v9  }
0x23: {  	v10 =	vadd.s32 v15, v10;
	v15 =	vmpcnt.ones.xlane vm0;
	vm0 =	vle.s32 v14, v9  }
0x24: {  	v10 =	vadd.s32 v11, v10;
	v11 =	vmpcnt.ones.xlane vm0;
	vm0 =	vle.s32 v13, v9  }
0x25: {  	v10 =	vadd.s32 v15, v10;
	v15 =	vmpcnt.ones.xlane vm0;
	vm0 =	vle.s32 v2, v9  }
0x26: {  	v10 =	vadd.s32 v11, v10;
	v11 =	vmpcnt.ones.xlane vm0  }
.Ltmp0:
0x27: {  	v10 =	vadd.s32 v15, v10;
	(pc) =	sbr.rel @p0 .LBB2_2-.Ltmp0, $4  }
0x28: {  	v10 =	vadd.s32 v11, v10  }
0x29: {  	vm0 =	vgt.s32 v10, $0x3F  }
0x2a: {  	v8 =	vsel vm0, v8, v9;
	v4 =	vsel vm0, v9, v4  }
0x2b: {  	s9 =	sadd.s32 $0xFFFFFFFF, s9;
	v9 =	vand.u32 v4, v8;
	v10 =	vxor.u32 v4, v8  }
0x2c: {  	v8 =	vshra.s32 v10, $0x1  }
0x2d: {  	v8 =	vadd.s32 v8, v9  }
0x2e: {  	vm0 =	vle.s32 v3, v8;
	vm1 =	vle.s32 v5, v8  }
0x2f: {  	v9 =	vmpcnt.ones.xlane vm0;
	v10 =	vmpcnt.ones.xlane vm1;
	vm0 =	vle.s32 v6, v8  }
0x30: {  	v11 =	vmpcnt.ones.xlane vm0;
	vm0 =	vle.s32 v7, v8  }
0x31: {  	v9 =	vadd.s32 v9, v10;
	v10 =	vmpcnt.ones.xlane vm0;
	vm0 =	vle.s32 v12, v8  }
0x32: {  	v9 =	vadd.s32 v11, v9;
	v11 =	vmpcnt.ones.xlane vm0;
	vm0 =	vle.s32 v14, v8  }
0x33: {  	v9 =	vadd.s32 v10, v9;
	v10 =	vmpcnt.ones.xlane vm0;
	vm0 =	vle.s32 v13, v8  }
0x34: {  	v9 =	vadd.s32 v11, v9;
	v11 =	vmpcnt.ones.xlane vm0;
	vm0 =	vle.s32 v2, v8  }
0x35: {  	v9 =	vadd.s32 v10, v9;
	v10 =	vmpcnt.ones.xlane vm0  }
0x36: {  	v9 =	vadd.s32 v11, v9  }
0x37: {  	v9 =	vadd.s32 v10, v9  }
0x38: {  	vm0 =	vgt.s32 v9, $0x3F  }
0x39: {  	v4 =	vsel vm0, v8, v4  }
0x3a: {  	v8 =	vimm.s32 $0x0;
	vm0 =	vlt.s32 v3, v4  }
0x3b: {  	v8 =	vsel vm0, $0xFFFFFFFF, v8  }
0x3c: {  	vm1 =	vlt.s32 v5, v4;
	[tilespmem:$0x1FF00] =	vst v8;
	v8 =	vimm.s32 $0x0  }
0x3d: {  	v8 =	vsel vm1, $0xFFFFFFFF, v8  }
0x3e: {  	v23 =	vmpcnt.ones.xlane vm0;
	vm0 =	vlt.s32 v6, v4;
	[tilespmem:$0x1FF10] =	vst v8;
	v8 =	vimm.s32 $0x0  }
0x3f: {  	v8 =	vsel vm0, $0xFFFFFFFF, v8  }
0x40: {  	v20 =	vmpcnt.ones.xlane vm0;
	vm0 =	vlt.s32 v7, v4;
	[tilespmem:$0x1FF20] =	vst v8;
	v8 =	vimm.s32 $0x0  }
0x41: {  	v8 =	vsel vm0, $0xFFFFFFFF, v8  }
0x42: {  	v24 =	vmpcnt.ones.xlane vm1;
	vm1 =	vlt.s32 v12, v4;
	[tilespmem:$0x1FF30] =	vst v8;
	v8 =	vimm.s32 $0x0  }
0x43: {  	vm10 =	veq.s32 v6, v4;
	v8 =	vsel vm1, $0xFFFFFFFF, v8  }
0x44: {  	v22 =	vmpcnt.ones.xlane vm0;
	vm0 =	vlt.s32 v14, v4;
	[tilespmem:$0x1FF40] =	vst v8;
	v8 =	vimm.s32 $0x0  }
0x45: {  	v6 =	vmpcnt.ones.xlane vm10;
	v8 =	vsel vm0, $0xFFFFFFFF, v8  }
0x46: {  	v19 =	vmpcnt.ones.xlane vm1;
	vm1 =	vlt.s32 v13, v4;
	[tilespmem:$0x1FF50] =	vst v8;
	v8 =	vimm.s32 $0x0  }
0x47: {  	[tilespmem:$0x1FF80] =	vst v6;
	v6 =	vimm.s32 $0x0;
	v8 =	vsel vm1, $0xFFFFFFFF, v8  }
0x48: {  	v16 =	vmpcnt.ones.xlane vm0;
	vm0 =	vlt.s32 v2, v4;
	[tilespmem:$0x1FF60] =	vst v8;
	v8 =	vimm.s32 $0x0  }
0x49: {  	v15 =	vmpcnt.ones.xlane vm0;
	v8 =	vsel vm0, $0xFFFFFFFF, v8;
	vm0 =	veq.s32 v7, v4  }
0x4a: {  	vm9 =	veq.s32 v3, v4;
	v3 =	vld [tilespmem:$0x80];
	v6 =	vsel vm0, $0xFFFFFFFF, v6  }
0x4b: {  	[tilespmem:$0x1FF90] =	vst v6;
	v6 =	vmpcnt.ones.xlane vm0  }
0x4c: {  	vm15 =	veq.s32 v5, v4;
	v5 =	vld [tilespmem:$0x90]  }
0x4d: {  	v7 =	vld [tilespmem:$0xA0];
	vm0 =	veq.s32 v12, v4;
	[tilespmem:$0x1FFA0] =	vst v6;
	v6 =	vimm.s32 $0x0  }
0x4e: {  	vm2 =	veq.s32 v14, v4;
	v14 =	vld [tilespmem:$0xB0];
	v6 =	vsel vm0, $0xFFFFFFFF, v6  }
0x4f: {  	v25 =	vld [tilespmem:$0xC0];
	v12 =	vxor.u32 $0x7FFFFFFF, v3;
	[tilespmem:$0x1FFB0] =	vst v6;
	v6 =	vmpcnt.ones.xlane vm0;
	vm0 =	vlt.s32 v3, $0x0  }
0x50: {  	v26 =	vld [tilespmem:$0xD0];
	v18 =	vmpcnt.ones.xlane vm1;
	vm1 =	veq.s32 v13, v4;
	[tilespmem:$0x1FF70] =	vst v8;
	v12 =	vsel vm0, v12, v3  }
0x51: {  	v27 =	vld [tilespmem:$0xE0];
	vm0 =	vlt.s32 v5, $0x0;
	v3 =	vxor.u32 $0x7FFFFFFF, v5;
	[tilespmem:$0x1FFC0] =	vst v6;
	v6 =	vmpcnt.ones.xlane vm2  }
0x52: {  	[tilespmem:$0x200] =	vst v12;
	v13 =	vsel vm0, v3, v5;
	vm0 =	vlt.s32 v7, $0x0;
	v3 =	vxor.u32 $0x7FFFFFFF, v7;
	v5 =	vld [tilespmem:$0xF0]  }
0x53: {  	[tilespmem:$0x210] =	vst v13;
	v17 =	vsel vm0, v3, v7;
	vm0 =	vlt.s32 v14, $0x0;
	v3 =	vxor.u32 $0x7FFFFFFF, v14  }
0x54: {  	[tilespmem:$0x1FFD0] =	vst v6;
	v21 =	vsel vm0, v3, v14;
	vm0 =	vlt.s32 v25, $0x0;
	v3 =	vxor.u32 $0x7FFFFFFF, v25  }
0x55: {  	[tilespmem:$0x220] =	vst v17;
	v25 =	vsel vm0, v3, v25;
	vm0 =	vlt.s32 v26, $0x0;
	v3 =	vxor.u32 $0x7FFFFFFF, v26  }
0x56: {  	[tilespmem:$0x230] =	vst v21;
	v26 =	vsel vm0, v3, v26;
	vm0 =	vlt.s32 v27, $0x0;
	v3 =	vxor.u32 $0x7FFFFFFF, v27  }
0x57: {  	[tilespmem:$0x240] =	vst v25;
	v28 =	vsel vm0, v3, v27;
	vm0 =	vlt.s32 v5, $0x0;
	v3 =	vxor.u32 $0x7FFFFFFF, v5  }
0x58: {  	[tilespmem:$0x250] =	vst v26;
	v3 =	vsel vm0, v3, v5;
	v5 =	vimm.s32 $0x0  }
0x59: {  	[tilespmem:$0x260] =	vst v28;
	v5 =	vsel vm1, $0xFFFFFFFF, v5  }
0x5a: {  	[tilespmem:$0x1FFE0] =	vst v5;
	v5 =	vmpcnt.ones.xlane vm1  }
0x5b: {  	v10 =	vmpcnt.ones.xlane vm9;
	v14 =	vimm.s32 $0x7FFFFFFF;
	v27 =	vimm.s32 $0x80000000;
	[tilespmem:$0x270] =	vst v3  }
0x5c: {  	s9 =	simm.s32 $0x21;
	v11 =	vmpcnt.ones.xlane vm15;
	v29 =	vand.u32 v14, v27;
	v30 =	vxor.u32 v14, v27;
	[tilespmem:$0x1FFF0] =	vst v5  }
.LBB2_4:
0x5d: {  	p0 =	sne.s32 s9, $0x1;
	v5 =	vshra.s32 v30, $0x1  }
0x5e: {  	v5 =	vadd.s32 v5, v29  }
0x5f: {  	vm0 =	vle.s32 v12, v5;
	vm1 =	vle.s32 v13, v5  }
0x60: {  	v29 =	vmpcnt.ones.xlane vm0;
	v30 =	vmpcnt.ones.xlane vm1;
	vm0 =	vle.s32 v17, v5  }
0x61: {  	v31 =	vmpcnt.ones.xlane vm0;
	vm0 =	vle.s32 v21, v5  }
0x62: {  	v29 =	vadd.s32 v29, v30;
	v30 =	vmpcnt.ones.xlane vm0;
	vm0 =	vle.s32 v25, v5  }
0x63: {  	v29 =	vadd.s32 v31, v29;
	v31 =	vmpcnt.ones.xlane vm0;
	vm0 =	vle.s32 v26, v5  }
0x64: {  	v29 =	vadd.s32 v30, v29;
	v30 =	vmpcnt.ones.xlane vm0;
	vm0 =	vle.s32 v28, v5  }
0x65: {  	v29 =	vadd.s32 v31, v29;
	v31 =	vmpcnt.ones.xlane vm0;
	vm0 =	vle.s32 v3, v5  }
0x66: {  	v29 =	vadd.s32 v30, v29;
	v30 =	vmpcnt.ones.xlane vm0  }
.Ltmp1:
0x67: {  	v29 =	vadd.s32 v31, v29;
	(pc) =	sbr.rel @p0 .LBB2_4-.Ltmp1, $4  }
0x68: {  	v29 =	vadd.s32 v30, v29  }
0x69: {  	vm0 =	vgt.s32 v29, $0x3F  }
0x6a: {  	v27 =	vsel vm0, v27, v5;
	v14 =	vsel vm0, v5, v14  }
0x6b: {  	s9 =	sadd.s32 $0xFFFFFFFF, s9;
	v29 =	vand.u32 v14, v27;
	v30 =	vxor.u32 v14, v27  }
0x6c: {  	v5 =	vshra.s32 v30, $0x1  }
0x6d: {  	v5 =	vadd.s32 v5, v29  }
0x6e: {  	vm0 =	vle.s32 v12, v5;
	vm1 =	vle.s32 v13, v5  }
0x6f: {  	v27 =	vmpcnt.ones.xlane vm0;
	v29 =	vmpcnt.ones.xlane vm1;
	vm0 =	vle.s32 v17, v5  }
0x70: {  	v30 =	vmpcnt.ones.xlane vm0;
	vm0 =	vle.s32 v21, v5  }
0x71: {  	v27 =	vadd.s32 v27, v29;
	v29 =	vmpcnt.ones.xlane vm0;
	vm0 =	vle.s32 v25, v5  }
0x72: {  	v27 =	vadd.s32 v30, v27;
	v30 =	vmpcnt.ones.xlane vm0;
	vm0 =	vle.s32 v26, v5  }
0x73: {  	v27 =	vadd.s32 v29, v27;
	v29 =	vmpcnt.ones.xlane vm0;
	vm0 =	vle.s32 v28, v5  }
0x74: {  	v27 =	vadd.s32 v30, v27;
	v30 =	vmpcnt.ones.xlane vm0;
	vm0 =	vle.s32 v3, v5  }
0x75: {  	v27 =	vadd.s32 v29, v27;
	v29 =	vmpcnt.ones.xlane vm0  }
0x76: {  	v27 =	vadd.s32 v30, v27  }
0x77: {  	v27 =	vadd.s32 v29, v27  }
0x78: {  	vm0 =	vgt.s32 v27, $0x3F  }
0x79: {  	v14 =	vsel vm0, v5, v14  }
0x7a: {  	v5 =	vimm.s32 $0x0;
	vm1 =	vlt.s32 v12, v14  }
0x7b: {  	v5 =	vsel vm1, $0xFFFFFFFF, v5  }
0x7c: {  	vm0 =	vlt.s32 v13, v14;
	[tilespmem:$0x1FE40] =	vst v5;
	v5 =	vimm.s32 $0x0  }
0x7d: {  	v5 =	vsel vm0, $0xFFFFFFFF, v5  }
0x7e: {  	v45 =	vmpcnt.ones.xlane vm0;
	vm0 =	vlt.s32 v17, v14;
	[tilespmem:$0x1FE50] =	vst v5;
	v5 =	vimm.s32 $0x0  }
0x7f: {  	v5 =	vsel vm0, $0xFFFFFFFF, v5  }
0x80: {  	v44 =	vmpcnt.ones.xlane vm1;
	vm1 =	vlt.s32 v21, v14;
	[tilespmem:$0x1FE60] =	vst v5;
	v5 =	vimm.s32 $0x0  }
0x81: {  	v5 =	vsel vm1, $0xFFFFFFFF, v5  }
0x82: {  	v42 =	vmpcnt.ones.xlane vm0;
	vm0 =	vlt.s32 v25, v14;
	[tilespmem:$0x1FE70] =	vst v5;
	v5 =	vimm.s32 $0x0  }
0x83: {  	v5 =	vsel vm0, $0xFFFFFFFF, v5  }
0x84: {  	v40 =	vmpcnt.ones.xlane vm0;
	vm0 =	vlt.s32 v26, v14;
	[tilespmem:$0x1FE80] =	vst v5;
	v5 =	vimm.s32 $0x0  }
0x85: {  	v5 =	vsel vm0, $0xFFFFFFFF, v5  }
0x86: {  	v43 =	vmpcnt.ones.xlane vm1;
	vm1 =	vlt.s32 v28, v14;
	[tilespmem:$0x1FE90] =	vst v5;
	v5 =	vimm.s32 $0x0  }
0x87: {  	v6 =	vimm.s32 $0x0;
	v41 =	vimm.s32 $0x80000000;
	v5 =	vsel vm1, $0xFFFFFFFF, v5  }
0x88: {  	v38 =	vmpcnt.ones.xlane vm0;
	vm0 =	vlt.s32 v3, v14;
	[tilespmem:$0x1FEA0] =	vst v5;
	v5 =	vimm.s32 $0x0  }
0x89: {  	v37 =	vmpcnt.ones.xlane vm0;
	v5 =	vsel vm0, $0xFFFFFFFF, v5;
	vm0 =	veq.s32 v12, v14  }
0x8a: {  	vm13 =	veq.s32 v13, v14;
	vm8 =	veq.s32 v17, v14;
	[tilespmem:$0x1FEB0] =	vst v5;
	v5 =	vld [tilespmem:$0x100];
	v6 =	vsel vm0, $0xFFFFFFFF, v6  }
0x8b: {  	v39 =	vmpcnt.ones.xlane vm1;
	vm1 =	veq.s32 v25, v14;
	v12 =	vld [tilespmem:$0x110];
	[tilespmem:$0x1FEC0] =	vst v6;
	v6 =	vimm.s32 $0x0  }
0x8c: {  	v29 =	vld [tilespmem:$0x120];
	vm7 =	veq.s32 v21, v14;
	v33 =	vmpcnt.ones.xlane vm13;
	v6 =	vsel vm1, $0xFFFFFFFF, v6  }
0x8d: {  	v30 =	vld [tilespmem:$0x130];
	v32 =	vmpcnt.ones.xlane vm0;
	vm0 =	veq.s32 v26, v14;
	[tilespmem:$0x1FED0] =	vst v6;
	v6 =	vimm.s32 $0x0  }
0x8e: {  	v34 =	vld [tilespmem:$0x140];
	v26 =	vmpcnt.ones.xlane vm1;
	v17 =	vmpcnt.ones.xlane vm0;
	v6 =	vsel vm0, $0xFFFFFFFF, v6  }
0x8f: {  	vm0 =	veq.s32 v28, v14;
	v28 =	vld [tilespmem:$0x150];
	vm1 =	vlt.s32 v5, $0x0;
	v13 =	vxor.u32 $0x7FFFFFFF, v5  }
0x90: {  	v36 =	vld [tilespmem:$0x160];
	[tilespmem:$0x1FEE0] =	vst v6;
	v13 =	vsel vm1, v13, v5;
	vm1 =	vlt.s32 v12, $0x0;
	v5 =	vxor.u32 $0x7FFFFFFF, v12  }
0x91: {  	[tilespmem:$0x200] =	vst v13;
	v21 =	vsel vm1, v5, v12;
	vm1 =	vlt.s32 v29, $0x0;
	v5 =	vxor.u32 $0x7FFFFFFF, v29;
	v12 =	vld [tilespmem:$0x170]  }
0x92: {  	[tilespmem:$0x210] =	vst v21;
	v25 =	vsel vm1, v5, v29;
	vm1 =	vlt.s32 v30, $0x0;
	v5 =	vxor.u32 $0x7FFFFFFF, v30  }
0x93: {  	[tilespmem:$0x220] =	vst v25;
	v29 =	vsel vm1, v5, v30;
	vm1 =	vlt.s32 v34, $0x0;
	v5 =	vxor.u32 $0x7FFFFFFF, v34  }
0x94: {  	[tilespmem:$0x230] =	vst v29;
	v30 =	vsel vm1, v5, v34;
	vm1 =	vlt.s32 v28, $0x0;
	v5 =	vxor.u32 $0x7FFFFFFF, v28  }
0x95: {  	[tilespmem:$0x240] =	vst v30;
	v35 =	vsel vm1, v5, v28;
	vm1 =	vlt.s32 v36, $0x0;
	v5 =	vxor.u32 $0x7FFFFFFF, v36  }
0x96: {  	[tilespmem:$0x250] =	vst v35;
	v34 =	vsel vm1, v5, v36;
	vm1 =	vlt.s32 v12, $0x0;
	v5 =	vxor.u32 $0x7FFFFFFF, v12  }
0x97: {  	v31 =	vmpcnt.ones.xlane vm8;
	[tilespmem:$0x260] =	vst v34;
	v12 =	vsel vm1, v5, v12;
	v5 =	vimm.s32 $0x0  }
0x98: {  	v27 =	vmpcnt.ones.xlane vm7;
	v36 =	vimm.s32 $0x7FFFFFFF;
	v5 =	vsel vm0, $0xFFFFFFFF, v5;
	[tilespmem:$0x270] =	vst v12  }
0x99: {  	s9 =	simm.s32 $0x21;
	v28 =	vmpcnt.ones.xlane vm0;
	v46 =	vand.u32 v36, v41;
	v47 =	vxor.u32 v36, v41;
	[tilespmem:$0x1FEF0] =	vst v5  }
.LBB2_6:
0x9a: {  	p0 =	sne.s32 s9, $0x1;
	v5 =	vshra.s32 v47, $0x1  }
0x9b: {  	v5 =	vadd.s32 v5, v46  }
0x9c: {  	vm1 =	vle.s32 v13, v5;
	vm3 =	vle.s32 v21, v5  }
0x9d: {  	v46 =	vmpcnt.ones.xlane vm1;
	v47 =	vmpcnt.ones.xlane vm3;
	vm1 =	vle.s32 v25, v5  }
0x9e: {  	v48 =	vmpcnt.ones.xlane vm1;
	vm1 =	vle.s32 v29, v5  }
0x9f: {  	v46 =	vadd.s32 v46, v47;
	v47 =	vmpcnt.ones.xlane vm1;
	vm1 =	vle.s32 v30, v5  }
0xa0: {  	v46 =	vadd.s32 v48, v46;
	v48 =	vmpcnt.ones.xlane vm1;
	vm1 =	vle.s32 v35, v5  }
0xa1: {  	v46 =	vadd.s32 v47, v46;
	v47 =	vmpcnt.ones.xlane vm1;
	vm1 =	vle.s32 v34, v5  }
0xa2: {  	v46 =	vadd.s32 v48, v46;
	v48 =	vmpcnt.ones.xlane vm1;
	vm1 =	vle.s32 v12, v5  }
0xa3: {  	v46 =	vadd.s32 v47, v46;
	v47 =	vmpcnt.ones.xlane vm1  }
.Ltmp2:
0xa4: {  	v46 =	vadd.s32 v48, v46;
	(pc) =	sbr.rel @p0 .LBB2_6-.Ltmp2, $4  }
0xa5: {  	v46 =	vadd.s32 v47, v46  }
0xa6: {  	vm1 =	vgt.s32 v46, $0x3F  }
0xa7: {  	v41 =	vsel vm1, v41, v5;
	v36 =	vsel vm1, v5, v36  }
0xa8: {  	s9 =	sadd.s32 $0xFFFFFFFF, s9;
	v46 =	vand.u32 v36, v41;
	v47 =	vxor.u32 v36, v41  }
0xa9: {  	v5 =	vshra.s32 v47, $0x1  }
0xaa: {  	v5 =	vadd.s32 v5, v46  }
0xab: {  	vm1 =	vle.s32 v13, v5;
	vm3 =	vle.s32 v21, v5  }
0xac: {  	v41 =	vmpcnt.ones.xlane vm1;
	v57 =	vmpcnt.ones.xlane vm3;
	vm1 =	vle.s32 v25, v5  }
0xad: {  	v58 =	vmpcnt.ones.xlane vm1;
	vm1 =	vle.s32 v29, v5  }
0xae: {  	v41 =	vadd.s32 v41, v57;
	v59 =	vmpcnt.ones.xlane vm1;
	vm1 =	vle.s32 v30, v5  }
0xaf: {  	v41 =	vadd.s32 v58, v41;
	v60 =	vmpcnt.ones.xlane vm1;
	vm1 =	vle.s32 v35, v5  }
0xb0: {  	v41 =	vadd.s32 v59, v41;
	v61 =	vmpcnt.ones.xlane vm1;
	vm1 =	vle.s32 v34, v5  }
0xb1: {  	v41 =	vadd.s32 v60, v41;
	v62 =	vmpcnt.ones.xlane vm1;
	vm1 =	vle.s32 v12, v5  }
0xb2: {  	v41 =	vadd.s32 v61, v41;
	v63 =	vmpcnt.ones.xlane vm1  }
0xb3: {  	v41 =	vadd.s32 v62, v41  }
0xb4: {  	v41 =	vadd.s32 v63, v41  }
0xb5: {  	vm1 =	vgt.s32 v41, $0x3F  }
0xb6: {  	v41 =	vsel vm1, v5, v36  }
0xb7: {  	v5 =	vimm.s32 $0x0;
	vm1 =	vlt.s32 v13, v41  }
0xb8: {  	v5 =	vsel vm1, $0xFFFFFFFF, v5  }
0xb9: {  	vm0 =	vlt.s32 v21, v41;
	[tilespmem:$0x1FDB0] =	vst v5;
	v5 =	vimm.s32 $0x0  }
0xba: {  	v5 =	vsel vm0, $0xFFFFFFFF, v5  }
0xbb: {  	v60 =	vmpcnt.ones.xlane vm0;
	vm0 =	vlt.s32 v25, v41;
	[tilespmem:$0x1FDC0] =	vst v5;
	v5 =	vimm.s32 $0x0  }
0xbc: {  	v5 =	vsel vm0, $0xFFFFFFFF, v5  }
0xbd: {  	v59 =	vmpcnt.ones.xlane vm1;
	vm1 =	vlt.s32 v29, v41;
	[tilespmem:$0x1FDD0] =	vst v5;
	v5 =	vimm.s32 $0x0  }
0xbe: {  	v5 =	vsel vm1, $0xFFFFFFFF, v5  }
0xbf: {  	v57 =	vmpcnt.ones.xlane vm0;
	vm0 =	vlt.s32 v30, v41;
	[tilespmem:$0x1FDE0] =	vst v5;
	v5 =	vimm.s32 $0x0  }
0xc0: {  	v5 =	vsel vm0, $0xFFFFFFFF, v5  }
0xc1: {  	v56 =	vmpcnt.ones.xlane vm0;
	vm0 =	vlt.s32 v35, v41;
	[tilespmem:$0x1FDF0] =	vst v5;
	v5 =	vimm.s32 $0x0  }
0xc2: {  	v5 =	vsel vm0, $0xFFFFFFFF, v5  }
0xc3: {  	v58 =	vmpcnt.ones.xlane vm1;
	vm1 =	vlt.s32 v34, v41;
	[tilespmem:$0x1FE00] =	vst v5;
	v5 =	vimm.s32 $0x0  }
0xc4: {  	v5 =	vsel vm1, $0xFFFFFFFF, v5  }
0xc5: {  	v55 =	vmpcnt.ones.xlane vm0;
	vm0 =	vlt.s32 v12, v41;
	[tilespmem:$0x1FE10] =	vst v5;
	v5 =	vimm.s32 $0x0  }
0xc6: {  	v6 =	vimm.s32 $0x0;
	v5 =	vsel vm0, $0xFFFFFFFF, v5  }
0xc7: {  	v62 =	vimm.s32 $0x80000000;
	vm6 =	veq.s32 v25, v41;
	vm4 =	veq.s32 v29, v41;
	[tilespmem:$0x1FE20] =	vst v5;
	v5 =	vld [tilespmem:$0x180]  }
0xc8: {  	vm3 =	veq.s32 v30, v41;
	v53 =	vmpcnt.ones.xlane vm0;
	vm0 =	veq.s32 v13, v41;
	v13 =	vld [tilespmem:$0x190]  }
0xc9: {  	v50 =	vmpcnt.ones.xlane vm6;
	v54 =	vmpcnt.ones.xlane vm1;
	vm1 =	veq.s32 v21, v41;
	v21 =	vld [tilespmem:$0x1A0]  }
0xca: {  	vm11 =	veq.s32 v35, v41;
	v49 =	vmpcnt.ones.xlane vm4;
	v48 =	vmpcnt.ones.xlane vm3;
	v25 =	vld [tilespmem:$0x1B0]  }
0xcb: {  	vm5 =	veq.s32 v34, v41;
	v47 =	vmpcnt.ones.xlane vm11;
	v29 =	vld [tilespmem:$0x1C0];
	v52 =	vmpcnt.ones.xlane vm1  }
0xcc: {  	v46 =	vld [tilespmem:$0x1D0];
	v6 =	vsel vm0, $0xFFFFFFFF, v6;
	vm12 =	vlt.s32 v5, $0x0;
	v30 =	vxor.u32 $0x7FFFFFFF, v5  }
0xcd: {  	v61 =	vld [tilespmem:$0x1E0];
	[tilespmem:$0x1FE30] =	vst v6;
	v36 =	vsel vm12, v30, v5;
	vm12 =	vlt.s32 v13, $0x0;
	v5 =	vxor.u32 $0x7FFFFFFF, v13  }
0xce: {  	[tilespmem:$0x200] =	vst v36;
	v35 =	vsel vm12, v5, v13;
	vm12 =	vlt.s32 v21, $0x0;
	v5 =	vxor.u32 $0x7FFFFFFF, v21;
	v13 =	vld [tilespmem:$0x1F0]  }
0xcf: {  	[tilespmem:$0x210] =	vst v35;
	v34 =	vsel vm12, v5, v21;
	vm12 =	vlt.s32 v25, $0x0;
	v5 =	vxor.u32 $0x7FFFFFFF, v25  }
0xd0: {  	[tilespmem:$0x220] =	vst v34;
	v30 =	vsel vm12, v5, v25;
	vm12 =	vlt.s32 v29, $0x0;
	v5 =	vxor.u32 $0x7FFFFFFF, v29  }
0xd1: {  	[tilespmem:$0x230] =	vst v30;
	v29 =	vsel vm12, v5, v29;
	vm12 =	vlt.s32 v46, $0x0;
	v5 =	vxor.u32 $0x7FFFFFFF, v46  }
0xd2: {  	[tilespmem:$0x240] =	vst v29;
	v25 =	vsel vm12, v5, v46;
	vm12 =	vlt.s32 v61, $0x0;
	v5 =	vxor.u32 $0x7FFFFFFF, v61  }
0xd3: {  	[tilespmem:$0x250] =	vst v25;
	v21 =	vsel vm12, v5, v61;
	vm12 =	vlt.s32 v13, $0x0;
	v5 =	vxor.u32 $0x7FFFFFFF, v13  }
0xd4: {  	v51 =	vmpcnt.ones.xlane vm0;
	v61 =	vimm.s32 $0x7FFFFFFF;
	[tilespmem:$0x260] =	vst v21;
	v13 =	vsel vm12, v5, v13  }
0xd5: {  	s9 =	simm.s32 $0x21;
	v46 =	vmpcnt.ones.xlane vm5;
	v63 =	vand.u32 v61, v62;
	v5 =	vxor.u32 v61, v62;
	[tilespmem:$0x270] =	vst v13  }
.LBB2_8:
0xd6: {  	p0 =	sne.s32 s9, $0x1;
	v5 =	vshra.s32 v5, $0x1  }
0xd7: {  	v5 =	vadd.s32 v5, v63  }
0xd8: {  	vm12 =	vle.s32 v36, v5;
	vm14 =	vle.s32 v35, v5  }
0xd9: {  	v63 =	vmpcnt.ones.xlane vm12;
	v6 =	vmpcnt.ones.xlane vm14;
	vm12 =	vle.s32 v34, v5  }
0xda: {  	v7 =	vmpcnt.ones.xlane vm12;
	vm12 =	vle.s32 v30, v5  }
0xdb: {  	v6 =	vadd.s32 v63, v6;
	v63 =	vmpcnt.ones.xlane vm12;
	vm12 =	vle.s32 v29, v5  }
0xdc: {  	v6 =	vadd.s32 v7, v6;
	v7 =	vmpcnt.ones.xlane vm12;
	vm12 =	vle.s32 v25, v5  }
0xdd: {  	v6 =	vadd.s32 v63, v6;
	v63 =	vmpcnt.ones.xlane vm12;
	vm12 =	vle.s32 v21, v5  }
0xde: {  	v6 =	vadd.s32 v7, v6;
	v7 =	vmpcnt.ones.xlane vm12;
	vm12 =	vle.s32 v13, v5  }
0xdf: {  	v6 =	vadd.s32 v63, v6;
	v63 =	vmpcnt.ones.xlane vm12  }
.Ltmp3:
0xe0: {  	v6 =	vadd.s32 v7, v6;
	(pc) =	sbr.rel @p0 .LBB2_8-.Ltmp3, $4  }
0xe1: {  	v6 =	vadd.s32 v63, v6  }
0xe2: {  	vm12 =	vgt.s32 v6, $0x3F  }
0xe3: {  	v62 =	vsel vm12, v62, v5;
	v61 =	vsel vm12, v5, v61  }
0xe4: {  	s9 =	sadd.s32 $0xFFFFFFFF, s9;
	v63 =	vand.u32 v61, v62;
	v5 =	vxor.u32 v61, v62  }
0xe5: {  	v5 =	vshra.s32 v5, $0x1  }
0xe6: {  	v8 =	vsel vm9, $0x1, v0;
	v23 =	vadd.s32 v24, v23;
	v5 =	vadd.s32 v5, v63  }
0xe7: {  	v20 =	vadd.s32 v20, v23;
	v23 =	vsel vm10, $0x1, v0;
	vm12 =	vle.s32 v36, v5  }
0xe8: {  	vm0 =	vle.s32 v35, v5;
	vm14 =	vle.s32 v30, v5;
	v6 =	vmpcnt.ones.xlane vm12  }
0xe9: {  	v7 =	vmpcnt.ones.xlane vm0;
	vm0 =	vle.s32 v34, v5;
	v63 =	vmpcnt.ones.xlane vm14  }
0xea: {  	(xrf0) =	vadd.scan.msk.s32 $0xffff, v8;
	vm12 =	vle.s32 v29, v5;
	v62 =	vmpcnt.ones.xlane vm0;
	vm0 =	vle.s32 v25, v5  }
0xeb: {  	v24 =	vmpcnt.ones.xlane vm12;
	v9 =	vmpcnt.ones.xlane vm0;
	v6 =	vadd.s32 v6, v7  }
0xec: {  	v7 =	vadd.s32 v22, v20;
	v20 =	vsel vm15, $0x1, v0;
	vm0 =	vle.s32 v21, v5  }
0xed: {  	v6 =	vadd.s32 v62, v6;
	v7 =	vadd.s32 v19, v7;
	v22 =	vmpcnt.ones.xlane vm0  }
0xee: {  	(xrf0) =	vadd.scan.msk.s32 $0xffff, v20;
	vm0 =	vle.s32 v13, v5;
	v6 =	vadd.s32 v63, v6;
	v7 =	vadd.s32 v16, v7;
	v16 =	vld [tilespmem:$0x1FF90]  }
0xef: {  	v62 =	vmpcnt.ones.xlane vm0;
	vm0 =	vmmov vm9;
	v6 =	vadd.s32 v24, v6  }
0xf0: {  	v20 =	vld [tilespmem:$0x1FFB0];
	v63, _, _ =	vpop (xrf0);
	vm9 =	vmmov vm10;
	v7 =	vadd.s32 v18, v7;
	v6 =	vadd.s32 v9, v6  }
0xf1: {  	v8 =	vsub.s32 v63, v8;
	v7 =	vadd.s32 v15, v7;
	v6 =	vadd.s32 v22, v6;
	v22 =	vld [tilespmem:$0x1FF00]  }
0xf2: {  	(xrf0) =	vadd.scan.msk.s32 $0xffff, v23;
	v18 =	vsel vm15, $0xFFFFFFFF, v0;
	v24 =	vsel vm9, $0xFFFFFFFF, v0;
	v63 =	vld [tilespmem:$0x1FF10];
	v7 =	vsub.s32 $0x40, v7  }
0xf3: {  	vm12 =	vlt.s32 v8, v7;
	v6 =	vadd.s32 v62, v6;
	vm10 =	vnez.u8 v16  }
0xf4: {  	vm12 =	vmand vm0, vm12;
	v19, _, _ =	vpop (xrf0);
	vm14 =	vgt.s32 v6, $0x3F;
	v9 =	vsel vm10, $0x1, v0  }
0xf5: {  	vm0 =	vnez.u8 v20;
	v8 =	vadd.s32 v18, v19;
	v16 =	vsel vm14, v5, v61;
	(xrf0) =	vadd.scan.msk.s32 $0xffff, v9  }
0xf6: {  	v18 =	vsel vm2, $0x1, v0;
	v9 =	vsel vm0, $0x1, v0;
	vm14 =	vnez.u8 v22;
	v22 =	vld [tilespmem:$0x1FF80]  }
0xf7: {  	v23 =	vadd.s32 v10, v8;
	(xrf0) =	vadd.scan.msk.s32 $0xffff, v9;
	vm12 =	vmor vm14, vm12;
	vm14 =	vnez.u8 v63;
	v63 =	vld [tilespmem:$0x1FFA0]  }
0xf8: {  	v62 =	vadd.s32 v10, v11;
	v61, _, _ =	vpop (xrf0);
	(xrf0) =	vadd.scan.msk.s32 $0xffff, v18;
	v18 =	vld [tilespmem:$0x1FF20];
	v15 =	vsel vm12, $0x3F800000, v1;
	vm12 =	vlt.s32 v23, v7  }
0xf9: {  	v19 =	vsel vm10, $0xFFFFFFFF, v0;
	v6 =	vadd.s32 v24, v61;
	vm12 =	vmand vm15, vm12  }
0xfa: {  	v24 =	vsel vm0, $0xFFFFFFFF, v0;
	v6 =	vadd.s32 v62, v6;
	vm12 =	vmor vm14, vm12  }
0xfb: {  	v10 =	vsel vm12, $0x3F800000, v1;
	v20, _, _ =	vpop (xrf0);
	vm12 =	vlt.s32 v6, v7;
	v5 =	vadd.s32 v22, v62;
	v62 =	vld [tilespmem:$0x1FFE0]  }
0xfc: {  	vm12 =	vmand vm9, vm12;
	v23 =	vadd.s32 v19, v20;
	vm9 =	vmmov vm2  }
0xfd: {  	v61, _, _ =	vpop (xrf0);
	vm15 =	vnez.u8 v18;
	v20 =	vld [tilespmem:$0x1FF30];
	v6 =	vadd.s32 v5, v23;
	v5 =	vadd.s32 v63, v5  }
0xfe: {  	v8 =	vadd.s32 v24, v61;
	vm12 =	vmor vm15, vm12;
	v63 =	vld [tilespmem:$0x1FF40];
	vm14 =	vlt.s32 v6, v7  }
0xff: {  	v19 =	vadd.s32 v5, v8;
	v8 =	vsel vm12, $0x3F800000, v1;
	vm12 =	veq.s32 v2, v4;
	v2 =	vld [tilespmem:$0x1FFC0]  }
0x100: {  	v22 =	vsel vm9, $0xFFFFFFFF, v0;
	vm14 =	vmand vm10, vm14;
	v23, _, _ =	vpop (xrf0);
	vm2 =	vnez.u8 v62  }
0x101: {  	v18 =	vld [tilespmem:$0x1FFD0];
	v61 =	vadd.s32 v22, v23;
	v62 =	vsel vm12, $0x1, v0;
	v23 =	vadd.s32 v45, v44  }
0x102: {  	v22 =	vld [tilespmem:$0x1FEC0];
	v45 =	vsel vm12, $0xFFFFFFFF, v0;
	v11 =	vsel vm2, $0x1, v0;
	vm10 =	vnez.u8 v20  }
0x103: {  	v44 =	vld [tilespmem:$0x1FF50];
	vm14 =	vmor vm10, vm14;
	vm10 =	vlt.s32 v19, v7;
	v19 =	vsel vm2, $0xFFFFFFFF, v0  }
0x104: {  	(xrf0) =	vadd.scan.msk.s32 $0xffff, v11;
	vm10 =	vmand vm0, vm10;
	v24 =	vadd.s32 v2, v5;
	vm0 =	vnez.u8 v63  }
0x105: {  	v2 =	vsel vm14, $0x3F800000, v1;
	(xrf0) =	vadd.scan.msk.s32 $0xffff, v62;
	v62 =	vsel vm13, $0x1, v0;
	vm14 =	vmor vm0, vm10  }
0x106: {  	v5 =	vadd.s32 v24, v61;
	v6 =	vadd.s32 v18, v24;
	v24 =	vadd.s32 v42, v23  }
0x107: {  	vm0 =	vnez.u8 v22;
	vm10 =	vlt.s32 v5, v7;
	v5 =	vadd.s32 v43, v24  }
0x108: {  	v43 =	vld [tilespmem:$0x1FF60];
	vm15 =	vmand vm9, vm10;
	vm9 =	vnez.u8 v44;
	v5 =	vadd.s32 v40, v5  }
0x109: {  	v11 =	vsel vm0, $0x1, v0;
	v44 =	vld [tilespmem:$0x1FF70];
	vm15 =	vmor vm9, vm15;
	v5 =	vadd.s32 v38, v5  }
0x10a: {  	v24 =	vsel vm8, $0x1, v0;
	(xrf0) =	vadd.scan.msk.s32 $0xffff, v11;
	v38 =	vld [tilespmem:$0x1FFF0];
	v20, _, _ =	vpop (xrf0);
	v63 =	vadd.s32 v39, v5;
	v5 =	vsel vm15, $0x3F800000, v1  }
0x10b: {  	v4 =	vadd.s32 v19, v20;
	v61, _, _ =	vpop (xrf0);
	v18 =	vadd.s32 v37, v63;
	v63 =	vsel vm8, $0xFFFFFFFF, v0  }
0x10c: {  	(xrf0) =	vadd.scan.msk.s32 $0xffff, v62;
	v42 =	vadd.s32 v6, v4;
	v4 =	vsel vm14, $0x3F800000, v1;
	v9 =	vadd.s32 v45, v61  }
0x10d: {  	(xrf0) =	vadd.scan.msk.s32 $0xffff, v24;
	v20 =	vsub.s32 $0x40, v18;
	vm9 =	vnez.u8 v43;
	v45 =	vld [tilespmem:$0x1FE40];
	v61 =	vsel vm13, $0xFFFFFFFF, v0  }
0x10e: {  	vm14 =	vlt.s32 v42, v7;
	v42 =	vsel vm7, $0x1, v0;
	vm10 =	vnez.u8 v44  }
0x10f: {  	vm14 =	vmand vm2, vm14;
	v9 =	vadd.s32 v38, v9;
	v38 =	vadd.s32 v32, v33  }
0x110: {  	v37 =	vld [tilespmem:$0x1FED0];
	v39, _, _ =	vpop (xrf0);
	v6 =	vadd.s32 v6, v9;
	vm14 =	vmor vm9, vm14;
	v43 =	vadd.s32 v31, v38  }
0x111: {  	v40 =	vsub.s32 v39, v11;
	vm15 =	vlt.s32 v6, v7;
	v6 =	vsel vm14, $0x3F800000, v1  }
0x112: {  	v44 =	vld [tilespmem:$0x1FE50];
	v62, _, _ =	vpop (xrf0);
	vm2 =	vlt.s32 v40, v20;
	vm12 =	vmand vm12, vm15;
	vm14 =	vnez.u8 v45  }
0x113: {  	v39 =	vld [tilespmem:$0x1FEE0];
	v11 =	vadd.s32 v61, v62;
	v24, _, _ =	vpop (xrf0);
	v40 =	vsel vm7, $0xFFFFFFFF, v0;
	vm2 =	vmand vm0, vm2  }
0x114: {  	(xrf0) =	vadd.scan.msk.s32 $0xffff, v42;
	vm12 =	vmor vm10, vm12;
	v11 =	vadd.s32 v32, v11;
	v18 =	vadd.s32 v63, v24  }
0x115: {  	vm2 =	vmor vm14, vm2;
	v7 =	vsel vm12, $0x3F800000, v1;
	vm14 =	vnez.u8 v37  }
0x116: {  	v45 =	vld [tilespmem:$0x1FE60];
	v18 =	vadd.s32 v38, v18;
	vm15 =	vlt.s32 v11, v20;
	v9 =	vsel vm2, $0x3F800000, v1  }
0x117: {  	v22 =	vsel vm14, $0x1, v0;
	vm2 =	vmand vm13, vm15;
	vm9 =	vlt.s32 v18, v20  }
0x118: {  	v63 =	vld [tilespmem:$0x1FEF0];
	vm15 =	vnez.u8 v44;
	v61 =	vsel vm14, $0xFFFFFFFF, v0;
	vm10 =	vnez.u8 v39  }
0x119: {  	(xrf0) =	vadd.scan.msk.s32 $0xffff, v22;
	vm13 =	vmand vm8, vm9;
	vm2 =	vmor vm15, vm2;
	v22 =	vadd.s32 v27, v43  }
0x11a: {  	v42, _, _ =	vpop (xrf0);
	v39 =	vadd.s32 v60, v59;
	v9 =	vadd.f32 v9, v15;
	v19 =	vsel vm10, $0x1, v0  }
0x11b: {  	v11 =	vadd.s32 v40, v42;
	vm9 =	vnez.u8 v45;
	v18 =	vsel vm2, $0x3F800000, v1  }
0x11c: {  	v27 =	vsel vm10, $0xFFFFFFFF, v0;
	(xrf0) =	vadd.scan.msk.s32 $0xffff, v19;
	vm8 =	vmor vm9, vm13;
	v19 =	vadd.s32 v43, v11  }
0x11d: {  	vm9 =	vnez.u8 v63;
	v43 =	vadd.s32 v57, v39;
	v57 =	vsel vm1, $0x1, v0  }
0x11e: {  	v63 =	vsel vm4, $0x1, v0;
	v10 =	vadd.f32 v18, v10;
	v11 =	vsel vm8, $0x3F800000, v1  }
0x11f: {  	vm12 =	vlt.s32 v19, v20;
	v24 =	vsel vm9, $0x1, v0;
	v23 =	vadd.s32 v58, v43;
	v62, _, _ =	vpop (xrf0)  }
0x120: {  	vm2 =	vmand vm7, vm12;
	vm7 =	veq.s32 v3, v14;
	v19 =	vadd.s32 v61, v62  }
0x121: {  	(xrf0) =	vadd.scan.msk.s32 $0xffff, v24;
	v23 =	vadd.s32 v56, v23;
	v32 =	vsel vm7, $0x1, v0;
	v3 =	vadd.s32 v22, v19  }
0x122: {  	v38 =	vsel vm9, $0xFFFFFFFF, v0;
	v23 =	vadd.s32 v55, v23;
	v31, _, _ =	vpop (xrf0);
	(xrf0) =	vadd.scan.msk.s32 $0xffff, v32;
	vm13 =	vlt.s32 v3, v20;
	v3 =	vld [tilespmem:$0x1FE70]  }
0x123: {  	v58 =	vsel vm6, $0x1, v0;
	v43 =	vsel vm3, $0xFFFFFFFF, v0;
	v23 =	vadd.s32 v54, v23  }
0x124: {  	v33 =	vld [tilespmem:$0x1FE30];
	v8 =	vadd.f32 v11, v8;
	v44 =	vsel vm7, $0xFFFFFFFF, v0;
	v23 =	vadd.s32 v53, v23  }
0x125: {  	v61 =	vsel vm1, $0xFFFFFFFF, v0;
	v22 =	vadd.s32 v26, v22;
	v26 =	vsub.s32 $0x40, v23  }
0x126: {  	v32 =	vsel vm3, $0x1, v0;
	v14 =	vadd.s32 v27, v31;
	vm12 =	vmand vm14, vm13  }
0x127: {  	v14 =	vadd.s32 v22, v14;
	v40, _, _ =	vpop (xrf0);
	v22 =	vadd.s32 v17, v22;
	vm15 =	vnez.u8 v3;
	v3 =	vld [tilespmem:$0x1FE80]  }
0x128: {  	v37 =	vld [tilespmem:$0x1FE90];
	vm14 =	vlt.s32 v14, v20;
	v42 =	vadd.s32 v38, v40;
	v45, _, _ =	vpop (xrf0);
	vm2 =	vmor vm15, vm2  }
0x129: {  	vm15 =	vmand vm10, vm14;
	vm10 =	vnez.u8 v33;
	v24 =	vadd.s32 v44, v45  }
0x12a: {  	v60 =	vld [tilespmem:$0x1FEA0];
	v38 =	vsel vm5, $0x1, v0;
	v19 =	vsel vm10, $0x1, v0;
	v24 =	vadd.s32 v28, v24  }
0x12b: {  	v27 =	vld [tilespmem:$0x1FDB0];
	v17 =	vadd.s32 v22, v42;
	v33 =	vadd.s32 v51, v52;
	(xrf0) =	vadd.scan.msk.s32 $0xffff, v19;
	v22 =	vadd.s32 v22, v24  }
0x12c: {  	v28 =	vsel vm6, $0xFFFFFFFF, v0;
	v24 =	vld [tilespmem:$0x1FEB0];
	(xrf0) =	vadd.scan.msk.s32 $0xffff, v57;
	vm14 =	vlt.s32 v22, v20;
	vm13 =	vnez.u8 v3  }
0x12d: {  	v3 =	vsel vm2, $0x3F800000, v1;
	vm0 =	vmor vm13, vm12;
	vm12 =	vnez.u8 v37  }
0x12e: {  	(xrf0) =	vadd.scan.msk.s32 $0xffff, v58;
	vm13 =	vlt.s32 v17, v20;
	v37 =	vsel vm11, $0x1, v0;
	v2 =	vadd.f32 v3, v2  }
0x12f: {  	v14 =	vsel vm0, $0x3F800000, v1;
	vm0 =	vmor vm12, vm15;
	vm2 =	vmand vm9, vm13  }
0x130: {  	v40 =	vld [tilespmem:$0x1FDC0];
	vm15 =	vnez.u8 v60;
	vm13 =	vnez.u8 v27;
	v17 =	vsel vm0, $0x3F800000, v1  }
0x131: {  	v44 =	vld [tilespmem:$0x1FDD0];
	vm2 =	vmor vm15, vm2;
	vm0 =	vmand vm7, vm14;
	vm12 =	vnez.u8 v24;
	v59, _, _ =	vpop (xrf0)  }
0x132: {  	v24 =	vadd.s32 v50, v33;
	v50 =	vsel vm11, $0xFFFFFFFF, v0;
	v19 =	vsub.s32 v59, v19;
	v62, _, _ =	vpop (xrf0)  }
0x133: {  	v3 =	vadd.f32 v14, v4;
	vm9 =	vlt.s32 v19, v26;
	v19 =	vadd.s32 v61, v62  }
0x134: {  	vm0 =	vmor vm12, vm0;
	v31, _, _ =	vpop (xrf0);
	vm7 =	vmand vm10, vm9;
	v20 =	vadd.s32 v51, v19  }
0x135: {  	v22 =	vadd.s32 v28, v31;
	v19 =	vsel vm2, $0x3F800000, v1;
	vm9 =	vnez.u8 v40  }
0x136: {  	(xrf0) =	vadd.scan.msk.s32 $0xffff, v63;
	vm10 =	vnez.u8 v44;
	v51 =	vsel vm5, $0xFFFFFFFF, v0;
	vm2 =	vlt.s32 v25, v16  }
0x137: {  	vm7 =	vmor vm13, vm7;
	vm14 =	vlt.s32 v20, v26;
	v22 =	vadd.s32 v33, v22  }
0x138: {  	(xrf0) =	vadd.scan.msk.s32 $0xffff, v32;
	v20 =	vsel vm0, $0x3F800000, v1;
	vm15 =	vlt.s32 v22, v26;
	v22 =	vsel vm7, $0x3F800000, v1  }
0x139: {  	vm8 =	vmand vm1, vm14;
	vm7 =	veq.s32 v12, v41;
	v41 =	vsel vm4, $0xFFFFFFFF, v0  }
0x13a: {  	(xrf0) =	vadd.scan.msk.s32 $0xffff, v37;
	v7 =	vadd.f32 v20, v7;
	vm1 =	vmor vm9, vm8;
	vm0 =	vmand vm6, vm15  }
0x13b: {  	(xrf0) =	vadd.scan.msk.s32 $0xffff, v38;
	v45 =	vsel vm7, $0x1, v0;
	v55 =	vsel vm7, $0xFFFFFFFF, v0;
	vm9 =	vlt.s32 v36, v16  }
0x13c: {  	v39, _, _ =	vpop (xrf0);
	vm8 =	vlt.s32 v35, v16;
	vm6 =	vlt.s32 v34, v16;
	v9 =	vadd.f32 v22, v9  }
0x13d: {  	v12 =	vsel vm1, $0x3F800000, v1;
	v23 =	vadd.s32 v41, v39;
	v57 =	vmpcnt.ones.xlane vm9  }
0x13e: {  	v42, _, _ =	vpop (xrf0);
	vm0 =	vmor vm10, vm0;
	v58 =	vmpcnt.ones.xlane vm8;
	v60 =	vmpcnt.ones.xlane vm6  }
0x13f: {  	v59 =	vld [tilespmem:$0x1FDE0];
	v23 =	vadd.s32 v24, v23;
	v24 =	vadd.s32 v49, v24;
	v27 =	vadd.s32 v43, v42  }
0x140: {  	v49, _, _ =	vpop (xrf0);
	v42 =	vmpcnt.ones.xlane vm2;
	v10 =	vadd.f32 v12, v10;
	vm12 =	vlt.s32 v23, v26  }
0x141: {  	v27 =	vadd.s32 v24, v27;
	v24 =	vadd.s32 v48, v24;
	v28 =	vadd.s32 v50, v49;
	v52, _, _ =	vpop (xrf0)  }
0x142: {  	v40 =	vld [tilespmem:$0x1FDF0];
	v23 =	vsel vm0, $0x3F800000, v1;
	v31 =	vadd.s32 v51, v52;
	v53 =	vadd.s32 v47, v24  }
0x143: {  	vm13 =	vmand vm4, vm12;
	v24 =	vadd.s32 v24, v28;
	vm14 =	vlt.s32 v27, v26  }
0x144: {  	vm12 =	vnez.u8 v59;
	v28 =	vadd.s32 v58, v57;
	vm4 =	vlt.s32 v30, v16  }
0x145: {  	v41 =	vld [tilespmem:$0x1FE00];
	v8 =	vadd.f32 v23, v8;
	v54 =	vadd.s32 v53, v31;
	vm15 =	vlt.s32 v24, v26  }
0x146: {  	vm0 =	vmor vm12, vm13;
	vm13 =	vmand vm3, vm14;
	v28 =	vadd.s32 v60, v28  }
0x147: {  	(xrf0) =	vadd.scan.msk.s32 $0xffff, v45;
	v61 =	vmpcnt.ones.xlane vm4;
	vm3 =	vlt.s32 v29, v16;
	vm14 =	vnez.u8 v40  }
0x148: {  	vm10 =	vlt.s32 v54, v26;
	v24 =	vsel vm0, $0x3F800000, v1;
	vm1 =	vmand vm11, vm15  }
0x149: {  	vm11 =	veq.s32 v36, v16;
	v62 =	vmpcnt.ones.xlane vm3;
	vm12 =	vmor vm14, vm13  }
0x14a: {  	vm15 =	vnez.u8 v41;
	vm0 =	vlt.s32 v13, v16;
	v28 =	vadd.s32 v61, v28  }
0x14b: {  	v49 =	vld [tilespmem:$0x1FE10];
	v63 =	vsel vm11, $0x1, v0;
	vm13 =	vmor vm15, vm1;
	vm1 =	vlt.s32 v21, v16  }
0x14c: {  	vm14 =	vmand vm5, vm10;
	vm5 =	veq.s32 v35, v16;
	v45 =	vmpcnt.ones.xlane vm0  }
0x14d: {  	v56, _, _ =	vpop (xrf0);
	v35 =	vsel vm12, $0x3F800000, v1;
	vm10 =	veq.s32 v34, v16;
	v51 =	vmpcnt.ones.xlane vm11;
	(xrf0) =	vadd.scan.msk.s32 $0xffff, v63  }
0x14e: {  	v2 =	vadd.f32 v24, v2;
	v27 =	vadd.s32 v55, v56;
	v28 =	vadd.s32 v62, v28  }
0x14f: {  	v43 =	vmpcnt.ones.xlane vm1;
	v44 =	vsel vm5, $0x1, v0;
	v36 =	vsel vm13, $0x3F800000, v1  }
0x150: {  	v50 =	vld [tilespmem:$0x1FE20];
	v47 =	vsel vm10, $0x1, v0;
	vm13 =	vnez.u8 v49;
	v52 =	vsel vm5, $0xFFFFFFFF, v0  }
0x151: {  	v55 =	vmpcnt.ones.xlane vm5;
	v28 =	vadd.s32 v42, v28;
	v27 =	vadd.s32 v46, v27;
	(xrf0) =	vadd.scan.msk.s32 $0xffff, v44  }
0x152: {  	v57 =	vsel vm10, $0xFFFFFFFF, v0;
	v28 =	vadd.s32 v43, v28;
	v27 =	vadd.s32 v53, v27  }
0x153: {  	vm13 =	vmor vm13, vm14;
	v28 =	vadd.s32 v45, v28;
	vm12 =	vlt.s32 v27, v26;
	v46, _, _ =	vpop (xrf0);
	(xrf0) =	vadd.scan.msk.s32 $0xffff, v47  }
0x154: {  	v26 =	vsel vm13, $0x3F800000, v1;
	v27 =	vsub.s32 $0x40, v28;
	v48 =	vsub.s32 v46, v63  }
0x155: {  	vm13 =	vnez.u8 v50;
	vm7 =	vmand vm7, vm12;
	vm12 =	vlt.s32 v48, v27  }
0x156: {  	vm13 =	vmor vm13, vm7;
	vm7 =	veq.s32 v30, v16;
	vm12 =	vmand vm11, vm12  }
0x157: {  	v56 =	vsel vm7, $0x1, v0;
	v53, _, _ =	vpop (xrf0);
	vm11 =	vmor vm9, vm12;
	vm9 =	veq.s32 v29, v16  }
0x158: {  	v60 =	vmpcnt.ones.xlane vm10;
	(xrf0) =	vadd.scan.msk.s32 $0xffff, v56;
	v54 =	vadd.s32 v52, v53;
	v59 =	vsel vm9, $0x1, v0  }
0x159: {  	v3 =	vadd.f32 v35, v3;
	vm14 =	veq.s32 v25, v16;
	v30 =	vadd.s32 v51, v54;
	v58, _, _ =	vpop (xrf0);
	(xrf0) =	vadd.scan.msk.s32 $0xffff, v59  }
0x15a: {  	v61 =	vsel vm14, $0x1, v0;
	v28 =	vadd.s32 v51, v55;
	vm12 =	vlt.s32 v30, v27  }
0x15b: {  	v25 =	vadd.s32 v60, v28;
	v39 =	vmpcnt.ones.xlane vm7;
	vm5 =	vmand vm5, vm12  }
0x15c: {  	v31 =	vsel vm13, $0x3F800000, v1;
	v63 =	vsel vm7, $0xFFFFFFFF, v0;
	vm5 =	vmor vm8, vm5  }
0x15d: {  	v42 =	vadd.s32 v39, v25;
	v62 =	vsel vm5, $0x3F800000, v1;
	vm5 =	veq.s32 v21, v16  }
0x15e: {  	v48 =	vsel vm14, $0xFFFFFFFF, v0;
	v46 =	vmpcnt.ones.xlane vm9;
	v37, _, _ =	vpop (xrf0);
	(xrf0) =	vadd.scan.msk.s32 $0xffff, v61;
	v44 =	vsel vm5, $0x1, v0  }
0x15f: {  	v52 =	vmpcnt.ones.xlane vm14;
	v30 =	vsel vm11, $0x3F800000, v1;
	v40 =	vsel vm9, $0xFFFFFFFF, v0;
	v41, _, _ =	vpop (xrf0);
	(xrf0) =	vadd.scan.msk.s32 $0xffff, v44  }
0x160: {  	v9 =	vadd.f32 v30, v9;
	v29 =	vadd.s32 v57, v58;
	v21 =	vadd.s32 v46, v42  }
0x161: {  	v57 =	vadd.f32 v17, v5;
	v58 =	vadd.f32 v19, v6;
	v29 =	vadd.s32 v28, v29  }
0x162: {  	v38 =	vadd.s32 v63, v37;
	v53 =	vsel vm5, $0xFFFFFFFF, v0;
	vm13 =	vlt.s32 v29, v27  }
0x163: {  	v59 =	vmpcnt.ones.xlane vm5;
	vm11 =	vmand vm10, vm13;
	vm13 =	veq.s32 v13, v16  }
0x164: {  	v10 =	vadd.f32 v62, v10;
	v28 =	vadd.s32 v25, v38;
	v55 =	vsel vm13, $0x1, v0;
	v47, _, _ =	vpop (xrf0)  }
0x165: {  	v4 =	vadd.f32 v36, v57;
	vm15 =	vlt.s32 v28, v27;
	vm6 =	vmor vm6, vm11;
	v54, _, _ =	vpop (xrf0);
	(xrf0) =	vadd.scan.msk.s32 $0xffff, v55  }
0x166: {  	v5 =	vadd.f32 v26, v58;
	v45 =	vsel vm6, $0x3F800000, v1;
	vm6 =	vmand vm7, vm15  }
0x167: {  	v60 =	vsel vm13, $0xFFFFFFFF, v0;
	v43 =	vadd.s32 v40, v41;
	vm4 =	vmor vm4, vm6  }
0x168: {  	v8 =	vadd.f32 v45, v8;
	v25 =	vadd.s32 v42, v43;
	v49 =	vadd.s32 v48, v47  }
0x169: {  	v50 =	vsel vm4, $0x3F800000, v1;
	vm10 =	vlt.s32 v25, v27;
	v25 =	vadd.s32 v21, v49  }
0x16a: {  	v21 =	vadd.s32 v52, v21;
	v2 =	vadd.f32 v50, v2;
	vm11 =	vmand vm9, vm10  }
0x16b: {  	vm12 =	vlt.s32 v25, v27;
	vm3 =	vmor vm3, vm11;
	v13 =	vadd.s32 v53, v54;
	v61, _, _ =	vpop (xrf0)  }
0x16c: {  	vm4 =	vmand vm14, vm12;
	v13 =	vadd.s32 v21, v13;
	v12 =	vadd.s32 v60, v61  }
0x16d: {  	vm2 =	vmor vm2, vm4;
	vm14 =	vlt.s32 v13, v27;
	v6 =	vadd.s32 v59, v12  }
0x16e: {  	[tilespmem:$0x280] =	vst v9;
	v56 =	vsel vm2, $0x3F800000, v1;
	vm2 =	vmand vm5, vm14;
	v6 =	vadd.s32 v21, v6  }
0x16f: {  	[tilespmem:$0x290] =	vst v10;
	v51 =	vsel vm3, $0x3F800000, v1;
	vm1 =	vmor vm1, vm2;
	vm15 =	vlt.s32 v6, v27  }
0x170: {  	[tilespmem:$0x2A0] =	vst v8;
	v3 =	vadd.f32 v51, v3;
	v62 =	vsel vm1, $0x3F800000, v1;
	vm1 =	vmand vm13, vm15  }
0x171: {  	v63 =	vadd.f32 v31, v7;
	[tilespmem:$0x2B0] =	vst v2;
	v4 =	vadd.f32 v56, v4;
	vm0 =	vmor vm0, vm1  }
0x172: {  	[tilespmem:$0x2C0] =	vst v3;
	v5 =	vadd.f32 v62, v5;
	v2 =	vsel vm0, $0x3F800000, v1  }
0x173: {  	s8 =	sadd.s32 $0x1, s8;
	[tilespmem:$0x2D0] =	vst v4;
	v2 =	vadd.f32 v2, v63  }
0x174: {  	p0 =	sne.s32 s8, s5;
	[tilespmem:$0x2E0] =	vst v5  }
.Ltmp4:
0x175: {  	[tilespmem:$0x2F0] =	vst v2;
	(pc) =	sbr.rel @p0 .LBB2_1-.Ltmp4, $4  }
0x176: {  	[hbm4b:s4+s1] =	stream.linear.scatter [tilespmem:s7], [sflag:$0x1], $0x80, $0x38;
	[tilespmem:$0x300] =	vst v63  }
0x177: {  	_ =	swait.ge [sflag:s6], $0x80  }
0x178: {  	[sflag:s6] =	ssyncset.done $0x0  }
0x179: {  	[sflag:s6] =	ssyncadd.s32 $0xFFFFFF80  }
0x17a: {  	_ =	sfence.sel $0x180000  }
0x17b: {  	[bflag:$0x0] =	sbarrier.arrive $0xFFFF  }
0x17c: {  	p0 =	sne.s32 s2, $0x0;
	_ =	strace $0x90000047  }
0x17d: {  	s0 =	sadd.s32 @!p0 $0x100000, s0;
	[bflag:$0x2] =	sbarrier.arrive $0xFFFF  }
0x17e: {  	[sflag:s0] =	ssyncadd.tile.s32 @!p0 $0x1;
	_ =	shalt  }
.Lfunc_end2:
_tile_overlayer_lowered:
.L_overlay_start_2:
0x17f: {  	(tag) =	ssettag $0x2  }
0x180: {  	s0 =	rddreg [dreg:$0x0];
	s2 =	stileid.u32  }
0x181: {  	s1 =	rddreg [dreg:$0x1];
	p0 =	sne.s32 s2, $0x0  }
0x182: {  	s3 =	rddreg [dreg:$0x2];
	[bflag:$0x3] =	sbarrier.arrive $0xFFFF;
	s2 =	simm.s32 @!p0 $0x1C01  }
0x183: {  	[timem:s3], [sflag:s2] =	dma.local @!p0 [hbm:s0], s1  }
0x184: {  	s0 =	simm.s32 @!p0 $0x1  }
0x185: {  	_ =	swait.ge @!p0 [sflag:s0], s1  }
0x186: {  	s1 =	ssub.s32 @!p0 $0x0, s1;
	[sflag:s0] =	ssyncset.done @!p0 $0x0  }
0x187: {  	[sflag:s0] =	ssyncadd.s32 @!p0 s1  }
0x188: {  	[bflag:$0x3] =	sbarrier.arrive $0xFFFF  }
0x189: {  	_ =	shalt  }

</sc_bundles>
